<compile_context>
chip_gen: v7x
topology: tpu7x:2x2x1
jax: 0.10.2.dev20260603
libtpu: 0.0.44.dev20260713+nightly
codegen_flags: <defaults>
</compile_context>

<pallas_src>
import functools

import jax
import jax.numpy as jnp
from jax import lax
from jax.experimental import pallas as pl
from jax.experimental.pallas import tpu as pltpu
from jax.experimental.pallas import tpu_sc as plsc

_IOU_T = 0.7
_B = 128

_NW = 32
_CHUNK = 80
_NCH = 2
_D = 128


def _sc_gather(table, idx2):
    mesh = plsc.VectorSubcoreMesh(core_axis_name="c", subcore_axis_name="s")

    @functools.partial(
        pl.kernel, mesh=mesh,
        out_type=jax.ShapeDtypeStruct((_NW * _NCH, _CHUNK, _D), jnp.float32),
        scratch_types=[
            pltpu.VMEM((_NCH, _CHUNK), jnp.int32),
            pltpu.VMEM((_NCH, _CHUNK, _D), jnp.float32),
            pltpu.SemaphoreType.DMA,
        ],
    )
    def k(table_hbm, idx_hbm, out_hbm, idx_v, rows_v, sem):
        wid = lax.axis_index("s") * 2 + lax.axis_index("c")
        base = wid * _NCH
        pltpu.sync_copy(idx_hbm.at[pl.ds(base, _NCH)], idx_v)
        for j in range(_NCH):
            pltpu.async_copy(table_hbm.at[idx_v.at[j]], rows_v.at[j], sem).wait()
        pltpu.sync_copy(rows_v, out_hbm.at[pl.ds(base, _NCH)])

    return k(table, idx2)


def _sc_scatter(vals3, idx2, w):
    mesh = plsc.VectorSubcoreMesh(core_axis_name="c", subcore_axis_name="s")

    @functools.partial(
        pl.kernel, mesh=mesh,
        out_type=jax.ShapeDtypeStruct((w, _D), jnp.float32),
        scratch_types=[
            pltpu.VMEM((_NCH, _CHUNK), jnp.int32),
            pltpu.VMEM((_NCH, _CHUNK, _D), jnp.float32),
            pltpu.SemaphoreType.DMA,
        ],
    )
    def k(vals_hbm, idx_hbm, out_hbm, idx_v, rows_v, sem):
        wid = lax.axis_index("s") * 2 + lax.axis_index("c")
        base = wid * _NCH
        pltpu.sync_copy(idx_hbm.at[pl.ds(base, _NCH)], idx_v)
        pltpu.sync_copy(vals_hbm.at[pl.ds(base, _NCH)], rows_v)
        for j in range(_NCH):
            pltpu.async_copy(rows_v.at[j], out_hbm.at[idx_v.at[j]], sem).wait()

    return k(vals3, idx2)


def _nms_body(x1c, y1c, x2c, y2c, x1p, y1p, x2p, y2p,
              x1r, y1r, x2r, y2r, s_ref, out_ref, keep_ref, car_ref):
    nb = out_ref.shape[0]
    nbp = nb // 2
    w2 = 2 * _B

    def init_keep(j, c):
        keep_ref[j] = jnp.ones((1, _B), jnp.float32)
        car_ref[j] = (x2c[j] - x1c[j]) * (y2c[j] - y1c[j])
        return c

    lax.fori_loop(0, nb, init_keep, 0)

    def iou_gt(rx1, ry1, rx2, ry2, rar, cx1, cy1, cx2, cy2, car):
        x1 = jnp.maximum(rx1, cx1)
        y1 = jnp.maximum(ry1, cy1)
        x2 = jnp.minimum(rx2, cx2)
        y2 = jnp.minimum(ry2, cy2)
        iw = jnp.maximum(x2 - x1, 0.0)
        ih = jnp.maximum(y2 - y1, 0.0)
        inter = iw * ih
        union = rar + car - inter
        return (inter / jnp.maximum(union, 1e-8)) > _IOU_T

    def body_i(i, carry):
        rx1 = x1r[i]
        ry1 = y1r[i]
        rx2 = x2r[i]
        ry2 = y2r[i]
        rar = (rx2 - rx1) * (ry2 - ry1)
        rid = i * _B + lax.broadcasted_iota(jnp.int32, (_B, 1), 0)

        cid = i * _B + lax.broadcasted_iota(jnp.int32, (1, _B), 1)
        diag = iou_gt(rx1, ry1, rx2, ry2, rar,
                      x1c[i], y1c[i], x2c[i], y2c[i], car_ref[i]) & (cid > rid)
        dmat = diag.astype(jnp.bfloat16)
        keep_in = keep_ref[i]

        def jcond(st):
            return st[1]

        def jbody(st):
            k, _ = st
            cnt = jnp.dot(k.astype(jnp.bfloat16), dmat,
                          preferred_element_type=jnp.float32)
            k_new = keep_in * (cnt <= 0.5).astype(jnp.float32)
            return k_new, jnp.any(k_new != k)

        kloc, _ = lax.while_loop(jcond, jbody, (keep_in, jnp.array(True)))
        keep_ref[i] = kloc
        kb = kloc.astype(jnp.bfloat16)

        def apply_pair(p, masked):
            car = jnp.concatenate([car_ref[2 * p], car_ref[2 * p + 1]], axis=1)
            m = iou_gt(rx1, ry1, rx2, ry2, rar,
                       x1p[p], y1p[p], x2p[p], y2p[p], car)
            if masked:
                pcid = p * w2 + lax.broadcasted_iota(jnp.int32, (1, w2), 1)
                m = m & (pcid > rid)
            cnt = jnp.dot(kb, m.astype(jnp.bfloat16),
                          preferred_element_type=jnp.float32)
            keepf = (cnt <= 0.5).astype(jnp.float32)
            keep_ref[2 * p] = keep_ref[2 * p] * keepf[:, :_B]
            keep_ref[2 * p + 1] = keep_ref[2 * p + 1] * keepf[:, _B:]

        apply_pair(i // 2, True)
        start = i // 2 + 1
        cnt = nbp - start
        quads = cnt // 4

        def body_j4(q, c):
            p = start + 4 * q
            apply_pair(p, False)
            apply_pair(p + 1, False)
            apply_pair(p + 2, False)
            apply_pair(p + 3, False)
            return c

        lax.fori_loop(0, quads, body_j4, 0)
        rest = start + 4 * quads

        @pl.when(cnt % 4 >= 1)
        def _tail1():
            apply_pair(rest, False)

        @pl.when(cnt % 4 >= 2)
        def _tail2():
            apply_pair(rest + 1, False)

        @pl.when(cnt % 4 >= 3)
        def _tail3():
            apply_pair(rest + 2, False)

        return carry

    lax.fori_loop(0, nb, body_i, 0)

    def finish(j, c):
        out_ref[j] = s_ref[j] * keep_ref[j]
        return c

    lax.fori_loop(0, nb, finish, 0)


def kernel(boxes, scores):
    n = boxes.shape[0]
    nb = pl.cdiv(n, _B)
    w = nb * _B
    order = jnp.argsort(-scores).astype(jnp.int32)
    idx2 = jnp.concatenate(
        [order, jnp.arange(n, w, dtype=jnp.int32)]).reshape(_NW * _NCH, _CHUNK)
    table = (jnp.zeros((w, _D), jnp.float32)
             .at[:n, :4].set(boxes).at[:n, 4].set(scores))
    g = _sc_gather(table, idx2).reshape(w, _D)
    b = g[:, :4]
    s = g[:, 4]
    cols = [b[:, k].reshape(nb, 1, _B) for k in range(4)]
    pairs = [b[:, k].reshape(nb // 2, 1, 2 * _B) for k in range(4)]
    rows = [b[:, k].reshape(nb, _B, 1) for k in range(4)]
    vals = pl.pallas_call(
        _nms_body,
        out_shape=jax.ShapeDtypeStruct((nb, 1, _B), jnp.float32),
        scratch_shapes=[pltpu.VMEM((nb, 1, _B), jnp.float32),
                        pltpu.VMEM((nb, 1, _B), jnp.float32)],
    )(*cols, *pairs, *rows, s.reshape(nb, 1, _B))
    vals3 = (jnp.zeros((w, _D), jnp.float32)
             .at[:, 0].set(vals.reshape(w)).reshape(_NW * _NCH, _CHUNK, _D))
    return _sc_scatter(vals3, idx2, w)[:n, 0]

# --- scband reference (transcript-rebuilt; emitter-appended) ---
"""Pipeline reference for scband-frustum-proposer-og-29025388987121 (READ-ONLY COPY).

The authoritative reference and input builder live on the scoring server;
editing this copy changes nothing except your own understanding.
"""

import jax, jax.numpy as jnp
import numpy as np

N = 5000
IOU_THRESH = 0.7


def setup_inputs(seed: int = 0) -> dict:
    key = jax.random.key(seed)
    k1, k2, k3 = jax.random.split(key, 3)
    xy = jax.random.uniform(k1, (N, 2), dtype=jnp.float32) * 100.0
    wh = jax.random.uniform(k2, (N, 2), dtype=jnp.float32) * 10.0 + 1.0
    boxes = jnp.concatenate([xy, xy + wh], axis=-1)  # xyxy, valid boxes
    scores = jax.random.uniform(k3, (N,), dtype=jnp.float32)
    return {"boxes": boxes, "scores": scores}


def _pairwise_iou(b):
    # b: [N, 4] in xyxy
    x1 = jnp.maximum(b[:, None, 0], b[None, :, 0])
    y1 = jnp.maximum(b[:, None, 1], b[None, :, 1])
    x2 = jnp.minimum(b[:, None, 2], b[None, :, 2])
    y2 = jnp.minimum(b[:, None, 3], b[None, :, 3])
    iw = jnp.clip(x2 - x1, 0.0)
    ih = jnp.clip(y2 - y1, 0.0)
    inter = iw * ih
    area = (b[:, 2] - b[:, 0]) * (b[:, 3] - b[:, 1])
    union = area[:, None] + area[None, :] - inter
    return inter / jnp.maximum(union, 1e-8)


def reference(boxes, scores):
    n = boxes.shape[0]
    order = jnp.argsort(-scores)
    b = boxes[order]
    ious = _pairwise_iou(b)
    idxs = jnp.arange(n)

    def body(i, keep):
        sup = (ious[i] > IOU_THRESH) & (idxs > i) & keep[i]
        return keep & (~sup)

    keep_sorted = jax.lax.fori_loop(0, n, body, jnp.ones((n,), dtype=bool))
    # scatter keep mask back to original box order
    keep = jnp.zeros((n,), dtype=bool).at[order].set(keep_sorted)
    # masked scores: kept boxes retain their score, suppressed boxes -> 0
    out = scores * keep.astype(scores.dtype)
    return out

if __name__ == "__main__":
    import jax
    _d = setup_inputs()
    print(jax.jit(kernel)(*tuple(_d.values())))

</pallas_src>

<mosaic_0001>
#map = affine_map<(d0, d1) -> (0, 0)>
#map1 = affine_map<(d0, d1) -> (0, 0, 0)>
module attributes {stable_mosaic.version = 14 : i64} {
  func.func @k(%arg0: i32, %arg1: i32, %arg2: memref<5120x128xf32, #tpu.memory_space<hbm>>, %arg3: memref<64x80xi32, #tpu.memory_space<hbm>>, %arg4: memref<64x80x128xf32, #tpu.memory_space<hbm>>, %arg5: memref<2x80xi32, #tpu.memory_space<vmem>>, %arg6: memref<2x80x128xf32, #tpu.memory_space<vmem>>, %arg7: memref<!tpu.dma_semaphore, #tpu.memory_space<semaphore_mem>>) attributes {dimension_semantics = [#tpu.dimension_semantics<core_parallel>, #tpu.dimension_semantics<subcore_parallel>], iteration_bounds = array<i64: 2, 16>, scalar_prefetch = 0 : i64, scratch_operands = 3 : i64, tpu.core_type = #tpu.core_type<sc_vector_subcore>, window_params = [{transform_indices = #map}, {transform_indices = #map}, {transform_indices = #map1}]} {
    %mul3A = arith.constant 2 : i32
    %mul3A_0 = arith.muli %arg1, %mul3A : i32
    %add3A = arith.addi %mul3A_0, %arg0 : i32
    %mul3A_1 = arith.constant 2 : i32
    %mul3A_2 = arith.muli %add3A, %mul3A_1 : i32
    "tpu.region"() ({
      %run_scoped3A = tpu.sem_alloc : memref<!tpu.dma_semaphore, #tpu.memory_space<semaphore_mem>>
      %dma_start3A_49 = arith.constant 0 : i32
      %dma_start3A_50 = tpu.memref_slice %arg3[%mul3A_2, %dma_start3A_49] : memref<64x80xi32, #tpu.memory_space<hbm>> -> memref<2x80xi32, #tpu.memory_space<hbm>>
      %dma_start3A_51 = arith.constant 0 : i32
      %dma_start3A_52 = tpu.memref_slice %arg3[%mul3A_2, %dma_start3A_51] : memref<64x80xi32, #tpu.memory_space<hbm>> -> memref<2x80xi32, #tpu.memory_space<hbm>>
      tpu.enqueue_dma source(%dma_start3A_52 : memref<2x80xi32, #tpu.memory_space<hbm>>) target(%arg5 : memref<2x80xi32, #tpu.memory_space<vmem>>) target_semaphore(%run_scoped3A : memref<!tpu.dma_semaphore, #tpu.memory_space<semaphore_mem>>)
      %dma_wait3A_53 = arith.constant 0 : i32
      %dma_wait3A_54 = tpu.memref_slice %arg3[%mul3A_2, %dma_wait3A_53] : memref<64x80xi32, #tpu.memory_space<hbm>> -> memref<2x80xi32, #tpu.memory_space<hbm>>
      %dma_wait3A_55 = arith.constant 0 : i32
      %dma_wait3A_56 = tpu.memref_slice %arg3[%mul3A_2, %dma_wait3A_55] : memref<64x80xi32, #tpu.memory_space<hbm>> -> memref<2x80xi32, #tpu.memory_space<hbm>>
      tpu.wait_dma2 semaphore(%run_scoped3A : memref<!tpu.dma_semaphore, #tpu.memory_space<semaphore_mem>>) src(%dma_wait3A_56 : memref<2x80xi32, #tpu.memory_space<hbm>>) dst(%arg5 : memref<2x80xi32, #tpu.memory_space<vmem>>)
      tpu.yield
    }) : () -> ()
    %dma_start3A = arith.constant 0 : i32
    %dma_start3A_3 = arith.constant 0 : i32
    %dma_start3A_4 = arith.constant 0 : i32
    %dma_start3A_5 = arith.constant 0 : i32
    %dma_start3A_6 = tpu.memref_slice %arg6[%dma_start3A_3, %dma_start3A_4, %dma_start3A_5] : memref<2x80x128xf32, #tpu.memory_space<vmem>> -> memref<1x80x128xf32, #tpu.memory_space<vmem>>
    %dma_start3A_7 = tpu.memref_squeeze %dma_start3A_6 : memref<1x80x128xf32, #tpu.memory_space<vmem>> -> memref<80x128xf32, #tpu.memory_space<vmem>>
    %dma_start3A_8 = arith.constant 0 : i32
    %dma_start3A_9 = tpu.memref_slice %arg5[%dma_start3A, %dma_start3A_8] : memref<2x80xi32, #tpu.memory_space<vmem>> -> memref<1x80xi32, #tpu.memory_space<vmem>>
    %dma_start3A_10 = tpu.memref_squeeze %dma_start3A_9 : memref<1x80xi32, #tpu.memory_space<vmem>> -> memref<80xi32, #tpu.memory_space<vmem>>
    %dma_start3A_11 = arith.constant 0 : i32
    %dma_start3A_12 = arith.constant 0 : i32
    %dma_start3A_13 = tpu.memref_slice %arg2[%dma_start3A_11, %dma_start3A_12] : memref<5120x128xf32, #tpu.memory_space<hbm>> -> memref<5120x128xf32, #tpu.memory_space<hbm>>
    tpu.enqueue_indirect_dma source(%dma_start3A_13 : memref<5120x128xf32, #tpu.memory_space<hbm>>) target(%dma_start3A_7 : memref<80x128xf32, #tpu.memory_space<vmem>>) offsets(%dma_start3A_10 : memref<80xi32, #tpu.memory_space<vmem>>) semaphore(%arg7 : memref<!tpu.dma_semaphore, #tpu.memory_space<semaphore_mem>>)
    %dma_wait3A = arith.constant 0 : i32
    %dma_wait3A_14 = arith.constant 0 : i32
    %dma_wait3A_15 = arith.constant 0 : i32
    %dma_wait3A_16 = arith.constant 0 : i32
    %dma_wait3A_17 = tpu.memref_slice %arg6[%dma_wait3A_14, %dma_wait3A_15, %dma_wait3A_16] : memref<2x80x128xf32, #tpu.memory_space<vmem>> -> memref<1x80x128xf32, #tpu.memory_space<vmem>>
    %dma_wait3A_18 = tpu.memref_squeeze %dma_wait3A_17 : memref<1x80x128xf32, #tpu.memory_space<vmem>> -> memref<80x128xf32, #tpu.memory_space<vmem>>
    %dma_wait3A_19 = arith.constant 0 : i32
    %dma_wait3A_20 = tpu.memref_slice %arg5[%dma_wait3A, %dma_wait3A_19] : memref<2x80xi32, #tpu.memory_space<vmem>> -> memref<1x80xi32, #tpu.memory_space<vmem>>
    %dma_wait3A_21 = tpu.memref_squeeze %dma_wait3A_20 : memref<1x80xi32, #tpu.memory_space<vmem>> -> memref<80xi32, #tpu.memory_space<vmem>>
    %dma_wait3A_22 = arith.constant 0 : i32
    %dma_wait3A_23 = arith.constant 0 : i32
    %dma_wait3A_24 = tpu.memref_slice %arg2[%dma_wait3A_22, %dma_wait3A_23] : memref<5120x128xf32, #tpu.memory_space<hbm>> -> memref<5120x128xf32, #tpu.memory_space<hbm>>
    tpu.wait_indirect_dma semaphore(%arg7 : memref<!tpu.dma_semaphore, #tpu.memory_space<semaphore_mem>>) src(%dma_wait3A_24 : memref<5120x128xf32, #tpu.memory_space<hbm>>) dst(%dma_wait3A_18 : memref<80x128xf32, #tpu.memory_space<vmem>>)
    %dma_start3A_25 = arith.constant 1 : i32
    %dma_start3A_26 = arith.constant 1 : i32
    %dma_start3A_27 = arith.constant 0 : i32
    %dma_start3A_28 = arith.constant 0 : i32
    %dma_start3A_29 = tpu.memref_slice %arg6[%dma_start3A_26, %dma_start3A_27, %dma_start3A_28] : memref<2x80x128xf32, #tpu.memory_space<vmem>> -> memref<1x80x128xf32, #tpu.memory_space<vmem>>
    %dma_start3A_30 = tpu.memref_squeeze %dma_start3A_29 : memref<1x80x128xf32, #tpu.memory_space<vmem>> -> memref<80x128xf32, #tpu.memory_space<vmem>>
    %dma_start3A_31 = arith.constant 0 : i32
    %dma_start3A_32 = tpu.memref_slice %arg5[%dma_start3A_25, %dma_start3A_31] : memref<2x80xi32, #tpu.memory_space<vmem>> -> memref<1x80xi32, #tpu.memory_space<vmem>>
    %dma_start3A_33 = tpu.memref_squeeze %dma_start3A_32 : memref<1x80xi32, #tpu.memory_space<vmem>> -> memref<80xi32, #tpu.memory_space<vmem>>
    %dma_start3A_34 = arith.constant 0 : i32
    %dma_start3A_35 = arith.constant 0 : i32
    %dma_start3A_36 = tpu.memref_slice %arg2[%dma_start3A_34, %dma_start3A_35] : memref<5120x128xf32, #tpu.memory_space<hbm>> -> memref<5120x128xf32, #tpu.memory_space<hbm>>
    tpu.enqueue_indirect_dma source(%dma_start3A_36 : memref<5120x128xf32, #tpu.memory_space<hbm>>) target(%dma_start3A_30 : memref<80x128xf32, #tpu.memory_space<vmem>>) offsets(%dma_start3A_33 : memref<80xi32, #tpu.memory_space<vmem>>) semaphore(%arg7 : memref<!tpu.dma_semaphore, #tpu.memory_space<semaphore_mem>>)
    %dma_wait3A_37 = arith.constant 1 : i32
    %dma_wait3A_38 = arith.constant 1 : i32
    %dma_wait3A_39 = arith.constant 0 : i32
    %dma_wait3A_40 = arith.constant 0 : i32
    %dma_wait3A_41 = tpu.memref_slice %arg6[%dma_wait3A_38, %dma_wait3A_39, %dma_wait3A_40] : memref<2x80x128xf32, #tpu.memory_space<vmem>> -> memref<1x80x128xf32, #tpu.memory_space<vmem>>
    %dma_wait3A_42 = tpu.memref_squeeze %dma_wait3A_41 : memref<1x80x128xf32, #tpu.memory_space<vmem>> -> memref<80x128xf32, #tpu.memory_space<vmem>>
    %dma_wait3A_43 = arith.constant 0 : i32
    %dma_wait3A_44 = tpu.memref_slice %arg5[%dma_wait3A_37, %dma_wait3A_43] : memref<2x80xi32, #tpu.memory_space<vmem>> -> memref<1x80xi32, #tpu.memory_space<vmem>>
    %dma_wait3A_45 = tpu.memref_squeeze %dma_wait3A_44 : memref<1x80xi32, #tpu.memory_space<vmem>> -> memref<80xi32, #tpu.memory_space<vmem>>
    %dma_wait3A_46 = arith.constant 0 : i32
    %dma_wait3A_47 = arith.constant 0 : i32
    %dma_wait3A_48 = tpu.memref_slice %arg2[%dma_wait3A_46, %dma_wait3A_47] : memref<5120x128xf32, #tpu.memory_space<hbm>> -> memref<5120x128xf32, #tpu.memory_space<hbm>>
    tpu.wait_indirect_dma semaphore(%arg7 : memref<!tpu.dma_semaphore, #tpu.memory_space<semaphore_mem>>) src(%dma_wait3A_48 : memref<5120x128xf32, #tpu.memory_space<hbm>>) dst(%dma_wait3A_42 : memref<80x128xf32, #tpu.memory_space<vmem>>)
    "tpu.region"() ({
      %run_scoped3A = tpu.sem_alloc : memref<!tpu.dma_semaphore, #tpu.memory_space<semaphore_mem>>
      %dma_start3A_49 = arith.constant 0 : i32
      %dma_start3A_50 = arith.constant 0 : i32
      %dma_start3A_51 = tpu.memref_slice %arg4[%mul3A_2, %dma_start3A_49, %dma_start3A_50] : memref<64x80x128xf32, #tpu.memory_space<hbm>> -> memref<2x80x128xf32, #tpu.memory_space<hbm>>
      %dma_start3A_52 = arith.constant 0 : i32
      %dma_start3A_53 = arith.constant 0 : i32
      %dma_start3A_54 = tpu.memref_slice %arg4[%mul3A_2, %dma_start3A_52, %dma_start3A_53] : memref<64x80x128xf32, #tpu.memory_space<hbm>> -> memref<2x80x128xf32, #tpu.memory_space<hbm>>
      tpu.enqueue_dma source(%arg6 : memref<2x80x128xf32, #tpu.memory_space<vmem>>) target(%dma_start3A_54 : memref<2x80x128xf32, #tpu.memory_space<hbm>>) target_semaphore(%run_scoped3A : memref<!tpu.dma_semaphore, #tpu.memory_space<semaphore_mem>>)
      %dma_wait3A_55 = arith.constant 0 : i32
      %dma_wait3A_56 = arith.constant 0 : i32
      %dma_wait3A_57 = tpu.memref_slice %arg4[%mul3A_2, %dma_wait3A_55, %dma_wait3A_56] : memref<64x80x128xf32, #tpu.memory_space<hbm>> -> memref<2x80x128xf32, #tpu.memory_space<hbm>>
      %dma_wait3A_58 = arith.constant 0 : i32
      %dma_wait3A_59 = arith.constant 0 : i32
      %dma_wait3A_60 = tpu.memref_slice %arg4[%mul3A_2, %dma_wait3A_58, %dma_wait3A_59] : memref<64x80x128xf32, #tpu.memory_space<hbm>> -> memref<2x80x128xf32, #tpu.memory_space<hbm>>
      tpu.wait_dma2 semaphore(%run_scoped3A : memref<!tpu.dma_semaphore, #tpu.memory_space<semaphore_mem>>) src(%arg6 : memref<2x80x128xf32, #tpu.memory_space<vmem>>) dst(%dma_wait3A_60 : memref<2x80x128xf32, #tpu.memory_space<hbm>>)
      tpu.yield
    }) : () -> ()
    return
  }
}

#map = affine_map<(d0, d1) -> (0, 0, 0)>
#map1 = affine_map<(d0, d1) -> (0, 0)>
module attributes {stable_mosaic.version = 14 : i64} {
  func.func @k(%arg0: i32, %arg1: i32, %arg2: memref<64x80x128xf32, #tpu.memory_space<hbm>>, %arg3: memref<64x80xi32, #tpu.memory_space<hbm>>, %arg4: memref<5120x128xf32, #tpu.memory_space<hbm>>, %arg5: memref<2x80xi32, #tpu.memory_space<vmem>>, %arg6: memref<2x80x128xf32, #tpu.memory_space<vmem>>, %arg7: memref<!tpu.dma_semaphore, #tpu.memory_space<semaphore_mem>>) attributes {dimension_semantics = [#tpu.dimension_semantics<core_parallel>, #tpu.dimension_semantics<subcore_parallel>], iteration_bounds = array<i64: 2, 16>, scalar_prefetch = 0 : i64, scratch_operands = 3 : i64, tpu.core_type = #tpu.core_type<sc_vector_subcore>, window_params = [{transform_indices = #map}, {transform_indices = #map1}, {transform_indices = #map1}]} {
    %mul3A = arith.constant 2 : i32
    %mul3A_0 = arith.muli %arg1, %mul3A : i32
    %add3A = arith.addi %mul3A_0, %arg0 : i32
    %mul3A_1 = arith.constant 2 : i32
    %mul3A_2 = arith.muli %add3A, %mul3A_1 : i32
    "tpu.region"() ({
      %run_scoped3A = tpu.sem_alloc : memref<!tpu.dma_semaphore, #tpu.memory_space<semaphore_mem>>
      %dma_start3A_49 = arith.constant 0 : i32
      %dma_start3A_50 = tpu.memref_slice %arg3[%mul3A_2, %dma_start3A_49] : memref<64x80xi32, #tpu.memory_space<hbm>> -> memref<2x80xi32, #tpu.memory_space<hbm>>
      %dma_start3A_51 = arith.constant 0 : i32
      %dma_start3A_52 = tpu.memref_slice %arg3[%mul3A_2, %dma_start3A_51] : memref<64x80xi32, #tpu.memory_space<hbm>> -> memref<2x80xi32, #tpu.memory_space<hbm>>
      tpu.enqueue_dma source(%dma_start3A_52 : memref<2x80xi32, #tpu.memory_space<hbm>>) target(%arg5 : memref<2x80xi32, #tpu.memory_space<vmem>>) target_semaphore(%run_scoped3A : memref<!tpu.dma_semaphore, #tpu.memory_space<semaphore_mem>>)
      %dma_wait3A_53 = arith.constant 0 : i32
      %dma_wait3A_54 = tpu.memref_slice %arg3[%mul3A_2, %dma_wait3A_53] : memref<64x80xi32, #tpu.memory_space<hbm>> -> memref<2x80xi32, #tpu.memory_space<hbm>>
      %dma_wait3A_55 = arith.constant 0 : i32
      %dma_wait3A_56 = tpu.memref_slice %arg3[%mul3A_2, %dma_wait3A_55] : memref<64x80xi32, #tpu.memory_space<hbm>> -> memref<2x80xi32, #tpu.memory_space<hbm>>
      tpu.wait_dma2 semaphore(%run_scoped3A : memref<!tpu.dma_semaphore, #tpu.memory_space<semaphore_mem>>) src(%dma_wait3A_56 : memref<2x80xi32, #tpu.memory_space<hbm>>) dst(%arg5 : memref<2x80xi32, #tpu.memory_space<vmem>>)
      tpu.yield
    }) : () -> ()
    "tpu.region"() ({
      %run_scoped3A = tpu.sem_alloc : memref<!tpu.dma_semaphore, #tpu.memory_space<semaphore_mem>>
      %dma_start3A_49 = arith.constant 0 : i32
      %dma_start3A_50 = arith.constant 0 : i32
      %dma_start3A_51 = tpu.memref_slice %arg2[%mul3A_2, %dma_start3A_49, %dma_start3A_50] : memref<64x80x128xf32, #tpu.memory_space<hbm>> -> memref<2x80x128xf32, #tpu.memory_space<hbm>>
      %dma_start3A_52 = arith.constant 0 : i32
      %dma_start3A_53 = arith.constant 0 : i32
      %dma_start3A_54 = tpu.memref_slice %arg2[%mul3A_2, %dma_start3A_52, %dma_start3A_53] : memref<64x80x128xf32, #tpu.memory_space<hbm>> -> memref<2x80x128xf32, #tpu.memory_space<hbm>>
      tpu.enqueue_dma source(%dma_start3A_54 : memref<2x80x128xf32, #tpu.memory_space<hbm>>) target(%arg6 : memref<2x80x128xf32, #tpu.memory_space<vmem>>) target_semaphore(%run_scoped3A : memref<!tpu.dma_semaphore, #tpu.memory_space<semaphore_mem>>)
      %dma_wait3A_55 = arith.constant 0 : i32
      %dma_wait3A_56 = arith.constant 0 : i32
      %dma_wait3A_57 = tpu.memref_slice %arg2[%mul3A_2, %dma_wait3A_55, %dma_wait3A_56] : memref<64x80x128xf32, #tpu.memory_space<hbm>> -> memref<2x80x128xf32, #tpu.memory_space<hbm>>
      %dma_wait3A_58 = arith.constant 0 : i32
      %dma_wait3A_59 = arith.constant 0 : i32
      %dma_wait3A_60 = tpu.memref_slice %arg2[%mul3A_2, %dma_wait3A_58, %dma_wait3A_59] : memref<64x80x128xf32, #tpu.memory_space<hbm>> -> memref<2x80x128xf32, #tpu.memory_space<hbm>>
      tpu.wait_dma2 semaphore(%run_scoped3A : memref<!tpu.dma_semaphore, #tpu.memory_space<semaphore_mem>>) src(%dma_wait3A_60 : memref<2x80x128xf32, #tpu.memory_space<hbm>>) dst(%arg6 : memref<2x80x128xf32, #tpu.memory_space<vmem>>)
      tpu.yield
    }) : () -> ()
    %dma_start3A = arith.constant 0 : i32
    %dma_start3A_3 = arith.constant 0 : i32
    %dma_start3A_4 = arith.constant 0 : i32
    %dma_start3A_5 = arith.constant 0 : i32
    %dma_start3A_6 = tpu.memref_slice %arg6[%dma_start3A, %dma_start3A_4, %dma_start3A_5] : memref<2x80x128xf32, #tpu.memory_space<vmem>> -> memref<1x80x128xf32, #tpu.memory_space<vmem>>
    %dma_start3A_7 = tpu.memref_squeeze %dma_start3A_6 : memref<1x80x128xf32, #tpu.memory_space<vmem>> -> memref<80x128xf32, #tpu.memory_space<vmem>>
    %dma_start3A_8 = arith.constant 0 : i32
    %dma_start3A_9 = tpu.memref_slice %arg5[%dma_start3A_3, %dma_start3A_8] : memref<2x80xi32, #tpu.memory_space<vmem>> -> memref<1x80xi32, #tpu.memory_space<vmem>>
    %dma_start3A_10 = tpu.memref_squeeze %dma_start3A_9 : memref<1x80xi32, #tpu.memory_space<vmem>> -> memref<80xi32, #tpu.memory_space<vmem>>
    %dma_start3A_11 = arith.constant 0 : i32
    %dma_start3A_12 = arith.constant 0 : i32
    %dma_start3A_13 = tpu.memref_slice %arg4[%dma_start3A_11, %dma_start3A_12] : memref<5120x128xf32, #tpu.memory_space<hbm>> -> memref<5120x128xf32, #tpu.memory_space<hbm>>
    tpu.enqueue_indirect_dma source(%dma_start3A_7 : memref<80x128xf32, #tpu.memory_space<vmem>>) target(%dma_start3A_13 : memref<5120x128xf32, #tpu.memory_space<hbm>>) offsets(%dma_start3A_10 : memref<80xi32, #tpu.memory_space<vmem>>) semaphore(%arg7 : memref<!tpu.dma_semaphore, #tpu.memory_space<semaphore_mem>>)
    %dma_wait3A = arith.constant 0 : i32
    %dma_wait3A_14 = arith.constant 0 : i32
    %dma_wait3A_15 = arith.constant 0 : i32
    %dma_wait3A_16 = arith.constant 0 : i32
    %dma_wait3A_17 = tpu.memref_slice %arg6[%dma_wait3A, %dma_wait3A_15, %dma_wait3A_16] : memref<2x80x128xf32, #tpu.memory_space<vmem>> -> memref<1x80x128xf32, #tpu.memory_space<vmem>>
    %dma_wait3A_18 = tpu.memref_squeeze %dma_wait3A_17 : memref<1x80x128xf32, #tpu.memory_space<vmem>> -> memref<80x128xf32, #tpu.memory_space<vmem>>
    %dma_wait3A_19 = arith.constant 0 : i32
    %dma_wait3A_20 = tpu.memref_slice %arg5[%dma_wait3A_14, %dma_wait3A_19] : memref<2x80xi32, #tpu.memory_space<vmem>> -> memref<1x80xi32, #tpu.memory_space<vmem>>
    %dma_wait3A_21 = tpu.memref_squeeze %dma_wait3A_20 : memref<1x80xi32, #tpu.memory_space<vmem>> -> memref<80xi32, #tpu.memory_space<vmem>>
    %dma_wait3A_22 = arith.constant 0 : i32
    %dma_wait3A_23 = arith.constant 0 : i32
    %dma_wait3A_24 = tpu.memref_slice %arg4[%dma_wait3A_22, %dma_wait3A_23] : memref<5120x128xf32, #tpu.memory_space<hbm>> -> memref<5120x128xf32, #tpu.memory_space<hbm>>
    tpu.wait_indirect_dma semaphore(%arg7 : memref<!tpu.dma_semaphore, #tpu.memory_space<semaphore_mem>>) src(%dma_wait3A_18 : memref<80x128xf32, #tpu.memory_space<vmem>>) dst(%dma_wait3A_24 : memref<5120x128xf32, #tpu.memory_space<hbm>>)
    %dma_start3A_25 = arith.constant 1 : i32
    %dma_start3A_26 = arith.constant 1 : i32
    %dma_start3A_27 = arith.constant 0 : i32
    %dma_start3A_28 = arith.constant 0 : i32
    %dma_start3A_29 = tpu.memref_slice %arg6[%dma_start3A_25, %dma_start3A_27, %dma_start3A_28] : memref<2x80x128xf32, #tpu.memory_space<vmem>> -> memref<1x80x128xf32, #tpu.memory_space<vmem>>
    %dma_start3A_30 = tpu.memref_squeeze %dma_start3A_29 : memref<1x80x128xf32, #tpu.memory_space<vmem>> -> memref<80x128xf32, #tpu.memory_space<vmem>>
    %dma_start3A_31 = arith.constant 0 : i32
    %dma_start3A_32 = tpu.memref_slice %arg5[%dma_start3A_26, %dma_start3A_31] : memref<2x80xi32, #tpu.memory_space<vmem>> -> memref<1x80xi32, #tpu.memory_space<vmem>>
    %dma_start3A_33 = tpu.memref_squeeze %dma_start3A_32 : memref<1x80xi32, #tpu.memory_space<vmem>> -> memref<80xi32, #tpu.memory_space<vmem>>
    %dma_start3A_34 = arith.constant 0 : i32
    %dma_start3A_35 = arith.constant 0 : i32
    %dma_start3A_36 = tpu.memref_slice %arg4[%dma_start3A_34, %dma_start3A_35] : memref<5120x128xf32, #tpu.memory_space<hbm>> -> memref<5120x128xf32, #tpu.memory_space<hbm>>
    tpu.enqueue_indirect_dma source(%dma_start3A_30 : memref<80x128xf32, #tpu.memory_space<vmem>>) target(%dma_start3A_36 : memref<5120x128xf32, #tpu.memory_space<hbm>>) offsets(%dma_start3A_33 : memref<80xi32, #tpu.memory_space<vmem>>) semaphore(%arg7 : memref<!tpu.dma_semaphore, #tpu.memory_space<semaphore_mem>>)
    %dma_wait3A_37 = arith.constant 1 : i32
    %dma_wait3A_38 = arith.constant 1 : i32
    %dma_wait3A_39 = arith.constant 0 : i32
    %dma_wait3A_40 = arith.constant 0 : i32
    %dma_wait3A_41 = tpu.memref_slice %arg6[%dma_wait3A_37, %dma_wait3A_39, %dma_wait3A_40] : memref<2x80x128xf32, #tpu.memory_space<vmem>> -> memref<1x80x128xf32, #tpu.memory_space<vmem>>
    %dma_wait3A_42 = tpu.memref_squeeze %dma_wait3A_41 : memref<1x80x128xf32, #tpu.memory_space<vmem>> -> memref<80x128xf32, #tpu.memory_space<vmem>>
    %dma_wait3A_43 = arith.constant 0 : i32
    %dma_wait3A_44 = tpu.memref_slice %arg5[%dma_wait3A_38, %dma_wait3A_43] : memref<2x80xi32, #tpu.memory_space<vmem>> -> memref<1x80xi32, #tpu.memory_space<vmem>>
    %dma_wait3A_45 = tpu.memref_squeeze %dma_wait3A_44 : memref<1x80xi32, #tpu.memory_space<vmem>> -> memref<80xi32, #tpu.memory_space<vmem>>
    %dma_wait3A_46 = arith.constant 0 : i32
    %dma_wait3A_47 = arith.constant 0 : i32
    %dma_wait3A_48 = tpu.memref_slice %arg4[%dma_wait3A_46, %dma_wait3A_47] : memref<5120x128xf32, #tpu.memory_space<hbm>> -> memref<5120x128xf32, #tpu.memory_space<hbm>>
    tpu.wait_indirect_dma semaphore(%arg7 : memref<!tpu.dma_semaphore, #tpu.memory_space<semaphore_mem>>) src(%dma_wait3A_42 : memref<80x128xf32, #tpu.memory_space<vmem>>) dst(%dma_wait3A_48 : memref<5120x128xf32, #tpu.memory_space<hbm>>)
    return
  }
}

module attributes {stable_mosaic.version = 14 : i64} {
  func.func @_nms_body(%arg0: memref<40x1x128xf32, #tpu.memory_space<vmem>>, %arg1: memref<40x1x128xf32, #tpu.memory_space<vmem>>, %arg2: memref<40x1x128xf32, #tpu.memory_space<vmem>>, %arg3: memref<40x1x128xf32, #tpu.memory_space<vmem>>, %arg4: memref<20x1x256xf32, #tpu.memory_space<vmem>>, %arg5: memref<20x1x256xf32, #tpu.memory_space<vmem>>, %arg6: memref<20x1x256xf32, #tpu.memory_space<vmem>>, %arg7: memref<20x1x256xf32, #tpu.memory_space<vmem>>, %arg8: memref<40x128x1xf32, #tpu.memory_space<vmem>>, %arg9: memref<40x128x1xf32, #tpu.memory_space<vmem>>, %arg10: memref<40x128x1xf32, #tpu.memory_space<vmem>>, %arg11: memref<40x128x1xf32, #tpu.memory_space<vmem>>, %arg12: memref<40x1x128xf32, #tpu.memory_space<vmem>>, %arg13: memref<40x1x128xf32, #tpu.memory_space<vmem>>, %arg14: memref<40x1x128xf32, #tpu.memory_space<vmem>>, %arg15: memref<40x1x128xf32, #tpu.memory_space<vmem>>) attributes {dimension_semantics = [], scalar_prefetch = 0 : i64, scratch_operands = 2 : i64, tpu.core_type = #tpu.core_type<tc>} {
    %scan3A = arith.constant 0 : i32
    %scan3A_0 = arith.constant 40 : i32
    %scan3A_1 = arith.addi %scan3A, %scan3A_0 : i32
    %scan3A_2 = arith.constant 1 : i32
    scf.for %scan3A_14 = %scan3A to %scan3A_1 step %scan3A_2  : i32 {
      %broadcast_in_dim3A = arith.constant 1.000000e+00 : f32
      %broadcast_in_dim3A_15 = vector.broadcast %broadcast_in_dim3A : f32 to vector<1x128xf32>
      %swap3A = arith.index_cast %scan3A_14 : i32 to index
      %swap3A_16 = arith.constant 0 : index
      %swap3A_17 = arith.constant 0 : index
      %swap3A_18 = vector.load %arg14[%swap3A, %swap3A_16, %swap3A_17] : memref<40x1x128xf32, #tpu.memory_space<vmem>>, vector<1x1x128xf32>
      %swap3A_19 = vector.shape_cast %swap3A_18 : vector<1x1x128xf32> to vector<1x128xf32>
      %swap3A_20 = vector.shape_cast %broadcast_in_dim3A_15 : vector<1x128xf32> to vector<1x1x128xf32>
      tpu.vector_store %arg14[%swap3A, %swap3A_16, %swap3A_17], %swap3A_20 {strides = array<i32>} : memref<40x1x128xf32, #tpu.memory_space<vmem>>, vector<1x1x128xf32>,
      %get3A = arith.index_cast %scan3A_14 : i32 to index
      %get3A_21 = arith.constant 0 : index
      %get3A_22 = arith.constant 0 : index
      %get3A_23 = vector.load %arg2[%get3A, %get3A_21, %get3A_22] : memref<40x1x128xf32, #tpu.memory_space<vmem>>, vector<1x1x128xf32>
      %get3A_24 = vector.shape_cast %get3A_23 : vector<1x1x128xf32> to vector<1x128xf32>
      %get3A_25 = arith.index_cast %scan3A_14 : i32 to index
      %get3A_26 = arith.constant 0 : index
      %get3A_27 = arith.constant 0 : index
      %get3A_28 = vector.load %arg0[%get3A_25, %get3A_26, %get3A_27] : memref<40x1x128xf32, #tpu.memory_space<vmem>>, vector<1x1x128xf32>
      %get3A_29 = vector.shape_cast %get3A_28 : vector<1x1x128xf32> to vector<1x128xf32>
      %sub3A = arith.subf %get3A_24, %get3A_29 : vector<1x128xf32>
      %get3A_30 = arith.index_cast %scan3A_14 : i32 to index
      %get3A_31 = arith.constant 0 : index
      %get3A_32 = arith.constant 0 : index
      %get3A_33 = vector.load %arg3[%get3A_30, %get3A_31, %get3A_32] : memref<40x1x128xf32, #tpu.memory_space<vmem>>, vector<1x1x128xf32>
      %get3A_34 = vector.shape_cast %get3A_33 : vector<1x1x128xf32> to vector<1x128xf32>
      %get3A_35 = arith.index_cast %scan3A_14 : i32 to index
      %get3A_36 = arith.constant 0 : index
      %get3A_37 = arith.constant 0 : index
      %get3A_38 = vector.load %arg1[%get3A_35, %get3A_36, %get3A_37] : memref<40x1x128xf32, #tpu.memory_space<vmem>>, vector<1x1x128xf32>
      %get3A_39 = vector.shape_cast %get3A_38 : vector<1x1x128xf32> to vector<1x128xf32>
      %sub3A_40 = arith.subf %get3A_34, %get3A_39 : vector<1x128xf32>
      %mul3A = arith.mulf %sub3A, %sub3A_40 : vector<1x128xf32>
      %swap3A_41 = arith.index_cast %scan3A_14 : i32 to index
      %swap3A_42 = arith.constant 0 : index
      %swap3A_43 = arith.constant 0 : index
      %swap3A_44 = vector.load %arg15[%swap3A_41, %swap3A_42, %swap3A_43] : memref<40x1x128xf32, #tpu.memory_space<vmem>>, vector<1x1x128xf32>
      %swap3A_45 = vector.shape_cast %swap3A_44 : vector<1x1x128xf32> to vector<1x128xf32>
      %swap3A_46 = vector.shape_cast %mul3A : vector<1x128xf32> to vector<1x1x128xf32>
      tpu.vector_store %arg15[%swap3A_41, %swap3A_42, %swap3A_43], %swap3A_46 {strides = array<i32>} : memref<40x1x128xf32, #tpu.memory_space<vmem>>, vector<1x1x128xf32>,
    }
    %scan3A_3 = arith.constant 40 : i32
    %scan3A_4 = arith.constant 0 : i32
    %scan3A_5 = arith.constant 40 : i32
    %scan3A_6 = arith.addi %scan3A_4, %scan3A_5 : i32
    %scan3A_7 = arith.constant 1 : i32
    scf.for %scan3A_14 = %scan3A_4 to %scan3A_6 step %scan3A_7  : i32 {
      %get3A = arith.index_cast %scan3A_14 : i32 to index
      %get3A_15 = arith.constant 0 : index
      %get3A_16 = arith.constant 0 : index
      %get3A_17 = vector.load %arg8[%get3A, %get3A_15, %get3A_16] : memref<40x128x1xf32, #tpu.memory_space<vmem>>, vector<1x128x1xf32>
      %get3A_18 = vector.shape_cast %get3A_17 : vector<1x128x1xf32> to vector<128x1xf32>
      %get3A_19 = arith.index_cast %scan3A_14 : i32 to index
      %get3A_20 = arith.constant 0 : index
      %get3A_21 = arith.constant 0 : index
      %get3A_22 = vector.load %arg9[%get3A_19, %get3A_20, %get3A_21] : memref<40x128x1xf32, #tpu.memory_space<vmem>>, vector<1x128x1xf32>
      %get3A_23 = vector.shape_cast %get3A_22 : vector<1x128x1xf32> to vector<128x1xf32>
      %get3A_24 = arith.index_cast %scan3A_14 : i32 to index
      %get3A_25 = arith.constant 0 : index
      %get3A_26 = arith.constant 0 : index
      %get3A_27 = vector.load %arg10[%get3A_24, %get3A_25, %get3A_26] : memref<40x128x1xf32, #tpu.memory_space<vmem>>, vector<1x128x1xf32>
      %get3A_28 = vector.shape_cast %get3A_27 : vector<1x128x1xf32> to vector<128x1xf32>
      %get3A_29 = arith.index_cast %scan3A_14 : i32 to index
      %get3A_30 = arith.constant 0 : index
      %get3A_31 = arith.constant 0 : index
      %get3A_32 = vector.load %arg11[%get3A_29, %get3A_30, %get3A_31] : memref<40x128x1xf32, #tpu.memory_space<vmem>>, vector<1x128x1xf32>
      %get3A_33 = vector.shape_cast %get3A_32 : vector<1x128x1xf32> to vector<128x1xf32>
      %sub3A = arith.subf %get3A_28, %get3A_18 : vector<128x1xf32>
      %sub3A_34 = arith.subf %get3A_33, %get3A_23 : vector<128x1xf32>
      %mul3A = arith.mulf %sub3A, %sub3A_34 : vector<128x1xf32>
      %mul3A_35 = arith.constant 128 : i32
      %mul3A_36 = arith.muli %scan3A_14, %mul3A_35 : i32
      %iota3A = tpu.iota {dimensions = array<i32: 0>} : vector<128x1xi32>
      %add3A = vector.broadcast %mul3A_36 : i32 to vector<128x1xi32>
      %add3A_37 = arith.addi %add3A, %iota3A : vector<128x1xi32>
      %mul3A_38 = arith.constant 128 : i32
      %mul3A_39 = arith.muli %scan3A_14, %mul3A_38 : i32
      %iota3A_40 = tpu.iota {dimensions = array<i32: 1>} : vector<1x128xi32>
      %add3A_41 = vector.broadcast %mul3A_39 : i32 to vector<1x128xi32>
      %add3A_42 = arith.addi %add3A_41, %iota3A_40 : vector<1x128xi32>
      %get3A_43 = arith.index_cast %scan3A_14 : i32 to index
      %get3A_44 = arith.constant 0 : index
      %get3A_45 = arith.constant 0 : index
      %get3A_46 = vector.load %arg0[%get3A_43, %get3A_44, %get3A_45] : memref<40x1x128xf32, #tpu.memory_space<vmem>>, vector<1x1x128xf32>
      %get3A_47 = vector.shape_cast %get3A_46 : vector<1x1x128xf32> to vector<1x128xf32>
      %get3A_48 = arith.index_cast %scan3A_14 : i32 to index
      %get3A_49 = arith.constant 0 : index
      %get3A_50 = arith.constant 0 : index
      %get3A_51 = vector.load %arg1[%get3A_48, %get3A_49, %get3A_50] : memref<40x1x128xf32, #tpu.memory_space<vmem>>, vector<1x1x128xf32>
      %get3A_52 = vector.shape_cast %get3A_51 : vector<1x1x128xf32> to vector<1x128xf32>
      %get3A_53 = arith.index_cast %scan3A_14 : i32 to index
      %get3A_54 = arith.constant 0 : index
      %get3A_55 = arith.constant 0 : index
      %get3A_56 = vector.load %arg2[%get3A_53, %get3A_54, %get3A_55] : memref<40x1x128xf32, #tpu.memory_space<vmem>>, vector<1x1x128xf32>
      %get3A_57 = vector.shape_cast %get3A_56 : vector<1x1x128xf32> to vector<1x128xf32>
      %get3A_58 = arith.index_cast %scan3A_14 : i32 to index
      %get3A_59 = arith.constant 0 : index
      %get3A_60 = arith.constant 0 : index
      %get3A_61 = vector.load %arg3[%get3A_58, %get3A_59, %get3A_60] : memref<40x1x128xf32, #tpu.memory_space<vmem>>, vector<1x1x128xf32>
      %get3A_62 = vector.shape_cast %get3A_61 : vector<1x1x128xf32> to vector<1x128xf32>
      %get3A_63 = arith.index_cast %scan3A_14 : i32 to index
      %get3A_64 = arith.constant 0 : index
      %get3A_65 = arith.constant 0 : index
      %get3A_66 = vector.load %arg15[%get3A_63, %get3A_64, %get3A_65] : memref<40x1x128xf32, #tpu.memory_space<vmem>>, vector<1x1x128xf32>
      %get3A_67 = vector.shape_cast %get3A_66 : vector<1x1x128xf32> to vector<1x128xf32>
      %max3A = vector.broadcast %get3A_18 : vector<128x1xf32> to vector<128x128xf32>
      %max3A_68 = vector.broadcast %get3A_47 : vector<1x128xf32> to vector<128x128xf32>
      %max3A_69 = arith.maximumf %max3A, %max3A_68 : vector<128x128xf32>
      %max3A_70 = vector.broadcast %get3A_23 : vector<128x1xf32> to vector<128x128xf32>
      %max3A_71 = vector.broadcast %get3A_52 : vector<1x128xf32> to vector<128x128xf32>
      %max3A_72 = arith.maximumf %max3A_70, %max3A_71 : vector<128x128xf32>
      %min3A = vector.broadcast %get3A_28 : vector<128x1xf32> to vector<128x128xf32>
      %min3A_73 = vector.broadcast %get3A_57 : vector<1x128xf32> to vector<128x128xf32>
      %min3A_74 = arith.minimumf %min3A, %min3A_73 : vector<128x128xf32>
      %min3A_75 = vector.broadcast %get3A_33 : vector<128x1xf32> to vector<128x128xf32>
      %min3A_76 = vector.broadcast %get3A_62 : vector<1x128xf32> to vector<128x128xf32>
      %min3A_77 = arith.minimumf %min3A_75, %min3A_76 : vector<128x128xf32>
      %sub3A_78 = arith.subf %min3A_74, %max3A_69 : vector<128x128xf32>
      %max3A_79 = arith.constant 0.000000e+00 : f32
      %max3A_80 = vector.broadcast %max3A_79 : f32 to vector<128x128xf32>
      %max3A_81 = arith.maximumf %sub3A_78, %max3A_80 : vector<128x128xf32>
      %sub3A_82 = arith.subf %min3A_77, %max3A_72 : vector<128x128xf32>
      %max3A_83 = arith.constant 0.000000e+00 : f32
      %max3A_84 = vector.broadcast %max3A_83 : f32 to vector<128x128xf32>
      %max3A_85 = arith.maximumf %sub3A_82, %max3A_84 : vector<128x128xf32>
      %mul3A_86 = arith.mulf %max3A_81, %max3A_85 : vector<128x128xf32>
      %add3A_87 = vector.broadcast %mul3A : vector<128x1xf32> to vector<128x128xf32>
      %add3A_88 = vector.broadcast %get3A_67 : vector<1x128xf32> to vector<128x128xf32>
      %add3A_89 = arith.addf %add3A_87, %add3A_88 : vector<128x128xf32>
      %sub3A_90 = arith.subf %add3A_89, %mul3A_86 : vector<128x128xf32>
      %max3A_91 = arith.constant 9.99999993E-9 : f32
      %max3A_92 = vector.broadcast %max3A_91 : f32 to vector<128x128xf32>
      %max3A_93 = arith.maximumf %sub3A_90, %max3A_92 : vector<128x128xf32>
      %div3A = arith.divf %mul3A_86, %max3A_93 : vector<128x128xf32>
      %gt3A = arith.constant 0.699999988 : f32
      %gt3A_94 = vector.broadcast %gt3A : f32 to vector<128x128xf32>
      %gt3A_95 = arith.cmpf ogt, %div3A, %gt3A_94 : vector<128x128xf32>
      %gt3A_96 = vector.broadcast %add3A_42 : vector<1x128xi32> to vector<128x128xi32>
      %gt3A_97 = vector.broadcast %add3A_37 : vector<128x1xi32> to vector<128x128xi32>
      %gt3A_98 = arith.cmpi sgt, %gt3A_96, %gt3A_97 : vector<128x128xi32>
      %and3A = arith.andi %gt3A_95, %gt3A_98 : vector<128x128xi1>
      %convert_element_type3A = arith.extui %and3A : vector<128x128xi1> to vector<128x128xi32>
      %convert_element_type3A_99 = arith.sitofp %convert_element_type3A : vector<128x128xi32> to vector<128x128xf32>
      %convert_element_type3A_100 = arith.truncf %convert_element_type3A_99 : vector<128x128xf32> to vector<128x128xbf16>
      %get3A_101 = arith.index_cast %scan3A_14 : i32 to index
      %get3A_102 = arith.constant 0 : index
      %get3A_103 = arith.constant 0 : index
      %get3A_104 = vector.load %arg14[%get3A_101, %get3A_102, %get3A_103] : memref<40x1x128xf32, #tpu.memory_space<vmem>>, vector<1x1x128xf32>
      %get3A_105 = vector.shape_cast %get3A_104 : vector<1x1x128xf32> to vector<1x128xf32>
      %while3A = arith.constant true
      %while3A_106:2 = scf.while (%while3A_378 = %get3A_105, %while3A_379 = %while3A) : (vector<1x128xf32>, i1) -> (vector<1x128xf32>, i1) {
        scf.condition(%while3A_379) %while3A_378, %while3A_379 : vector<1x128xf32>, i1
      } do {
      ^bb0(%while3A_378: vector<1x128xf32>, %while3A_379: i1):
        %convert_element_type3A_380 = arith.truncf %while3A_378 : vector<1x128xf32> to vector<1x128xbf16>
        %dot_general3A_381 = arith.constant dense<0.000000e+00> : vector<1x128xf32>
        %dot_general3A_382 = tpu.matmul %convert_element_type3A_380, %convert_element_type3A_100, %dot_general3A_381 {dimension_numbers = #tpu.dot_dimension_numbers<[1], [0], [0], [1], [0, 0, 1, 1], [], []>, transpose_lhs_hint = false} : vector<1x128xbf16>, vector<128x128xbf16>, vector<1x128xf32> -> vector<1x128xf32>
        %le3A_383 = arith.constant 5.000000e-01 : f32
        %le3A_384 = vector.broadcast %le3A_383 : f32 to vector<1x128xf32>
        %le3A_385 = arith.cmpf ole, %dot_general3A_382, %le3A_384 : vector<1x128xf32>
        %convert_element_type3A_386 = arith.extui %le3A_385 : vector<1x128xi1> to vector<1x128xi32>
        %convert_element_type3A_387 = arith.sitofp %convert_element_type3A_386 : vector<1x128xi32> to vector<1x128xf32>
        %mul3A_388 = arith.mulf %get3A_105, %convert_element_type3A_387 : vector<1x128xf32>
        %ne3A_389 = arith.cmpf one, %mul3A_388, %while3A_378 : vector<1x128xf32>
        %reduce_or3A = arith.constant 1.000000e+00 : f32
        %reduce_or3A_390 = arith.constant 0.000000e+00 : f32
        %reduce_or3A_391 = vector.broadcast %reduce_or3A : f32 to vector<1x128xf32>
        %reduce_or3A_392 = vector.broadcast %reduce_or3A_390 : f32 to vector<1x128xf32>
        %reduce_or3A_393 = arith.select %ne3A_389, %reduce_or3A_391, %reduce_or3A_392 : vector<1x128xi1>, vector<1x128xf32>
        %reduce_or3A_394 = vector.shape_cast %reduce_or3A_393 : vector<1x128xf32> to vector<1x1x128xf32>
        %reduce_or3A_395 = arith.constant dense<0xFF800000> : vector<1xf32>
        %reduce_or3A_396 = vector.multi_reduction <maximumf>, %reduce_or3A_394, %reduce_or3A_395 [1, 2] : vector<1x1x128xf32> to vector<1xf32>
        %reduce_or3A_397 = vector.shape_cast %reduce_or3A_396 : vector<1xf32> to vector<1x1x1xf32>
        %reduce_or3A_398 = vector.extract %reduce_or3A_397[0, 0, 0] : f32 from vector<1x1x1xf32>
        %reduce_or3A_399 = arith.constant 0.000000e+00 : f32
        %reduce_or3A_400 = arith.cmpf ogt, %reduce_or3A_398, %reduce_or3A_399 : f32
        scf.yield %mul3A_388, %reduce_or3A_400 : vector<1x128xf32>, i1
      }
      %swap3A = arith.index_cast %scan3A_14 : i32 to index
      %swap3A_107 = arith.constant 0 : index
      %swap3A_108 = arith.constant 0 : index
      %swap3A_109 = vector.load %arg14[%swap3A, %swap3A_107, %swap3A_108] : memref<40x1x128xf32, #tpu.memory_space<vmem>>, vector<1x1x128xf32>
      %swap3A_110 = vector.shape_cast %swap3A_109 : vector<1x1x128xf32> to vector<1x128xf32>
      %swap3A_111 = vector.shape_cast %while3A_106#0 : vector<1x128xf32> to vector<1x1x128xf32>
      tpu.vector_store %arg14[%swap3A, %swap3A_107, %swap3A_108], %swap3A_111 {strides = array<i32>} : memref<40x1x128xf32, #tpu.memory_space<vmem>>, vector<1x1x128xf32>,
      %convert_element_type3A_112 = arith.truncf %while3A_106#0 : vector<1x128xf32> to vector<1x128xbf16>
      %jit3A = arith.constant 2 : i32
      %div3A_113 = arith.divsi %scan3A_14, %jit3A : i32
      %sign3A = arith.constant 0 : i32
      %sign3A_114 = arith.cmpi sgt, %scan3A_14, %sign3A : i32
      %sign3A_115 = arith.extui %sign3A_114 : i1 to i32
      %sign3A_116 = arith.constant 0 : i32
      %sign3A_117 = arith.cmpi slt, %scan3A_14, %sign3A_116 : i32
      %sign3A_118 = arith.extui %sign3A_117 : i1 to i32
      %sign3A_119 = arith.subi %sign3A_115, %sign3A_118 : i32
      %sign3A_120 = arith.constant 0 : i32
      %sign3A_121 = arith.cmpi sgt, %jit3A, %sign3A_120 : i32
      %sign3A_122 = arith.extui %sign3A_121 : i1 to i32
      %sign3A_123 = arith.constant 0 : i32
      %sign3A_124 = arith.cmpi slt, %jit3A, %sign3A_123 : i32
      %sign3A_125 = arith.extui %sign3A_124 : i1 to i32
      %sign3A_126 = arith.subi %sign3A_122, %sign3A_125 : i32
      %ne3A = arith.cmpi ne, %sign3A_119, %sign3A_126 : i32
      %rem3A = arith.remsi %scan3A_14, %jit3A : i32
      %ne3A_127 = arith.constant 0 : i32
      %ne3A_128 = arith.cmpi ne, %rem3A, %ne3A_127 : i32
      %and3A_129 = arith.andi %ne3A, %ne3A_128 : i1
      %sub3A_130 = arith.constant 1 : i32
      %sub3A_131 = arith.subi %div3A_113, %sub3A_130 : i32
      %select_n3A = arith.select %and3A_129, %sub3A_131, %div3A_113 : i32
      %mul3A_132 = arith.constant 2 : i32
      %mul3A_133 = arith.muli %mul3A_132, %select_n3A : i32
      %get3A_134 = arith.index_cast %mul3A_133 : i32 to index
      %get3A_135 = arith.constant 0 : index
      %get3A_136 = arith.constant 0 : index
      %get3A_137 = vector.load %arg15[%get3A_134, %get3A_135, %get3A_136] : memref<40x1x128xf32, #tpu.memory_space<vmem>>, vector<1x1x128xf32>
      %get3A_138 = vector.shape_cast %get3A_137 : vector<1x1x128xf32> to vector<1x128xf32>
      %mul3A_139 = arith.constant 2 : i32
      %mul3A_140 = arith.muli %mul3A_139, %select_n3A : i32
      %add3A_141 = arith.constant 1 : i32
      %add3A_142 = arith.addi %mul3A_140, %add3A_141 : i32
      %get3A_143 = arith.index_cast %add3A_142 : i32 to index
      %get3A_144 = arith.constant 0 : index
      %get3A_145 = arith.constant 0 : index
      %get3A_146 = vector.load %arg15[%get3A_143, %get3A_144, %get3A_145] : memref<40x1x128xf32, #tpu.memory_space<vmem>>, vector<1x1x128xf32>
      %get3A_147 = vector.shape_cast %get3A_146 : vector<1x1x128xf32> to vector<1x128xf32>
      %concatenate3A = tpu.concatenate %get3A_138, %get3A_147 in 1 : vector<1x128xf32>, vector<1x128xf32> -> vector<1x256xf32>
      %get3A_148 = arith.index_cast %select_n3A : i32 to index
      %get3A_149 = arith.constant 0 : index
      %get3A_150 = arith.constant 0 : index
      %get3A_151 = vector.load %arg4[%get3A_148, %get3A_149, %get3A_150] : memref<20x1x256xf32, #tpu.memory_space<vmem>>, vector<1x1x256xf32>
      %get3A_152 = vector.shape_cast %get3A_151 : vector<1x1x256xf32> to vector<1x256xf32>
      %get3A_153 = arith.index_cast %select_n3A : i32 to index
      %get3A_154 = arith.constant 0 : index
      %get3A_155 = arith.constant 0 : index
      %get3A_156 = vector.load %arg5[%get3A_153, %get3A_154, %get3A_155] : memref<20x1x256xf32, #tpu.memory_space<vmem>>, vector<1x1x256xf32>
      %get3A_157 = vector.shape_cast %get3A_156 : vector<1x1x256xf32> to vector<1x256xf32>
      %get3A_158 = arith.index_cast %select_n3A : i32 to index
      %get3A_159 = arith.constant 0 : index
      %get3A_160 = arith.constant 0 : index
      %get3A_161 = vector.load %arg6[%get3A_158, %get3A_159, %get3A_160] : memref<20x1x256xf32, #tpu.memory_space<vmem>>, vector<1x1x256xf32>
      %get3A_162 = vector.shape_cast %get3A_161 : vector<1x1x256xf32> to vector<1x256xf32>
      %get3A_163 = arith.index_cast %select_n3A : i32 to index
      %get3A_164 = arith.constant 0 : index
      %get3A_165 = arith.constant 0 : index
      %get3A_166 = vector.load %arg7[%get3A_163, %get3A_164, %get3A_165] : memref<20x1x256xf32, #tpu.memory_space<vmem>>, vector<1x1x256xf32>
      %get3A_167 = vector.shape_cast %get3A_166 : vector<1x1x256xf32> to vector<1x256xf32>
      %max3A_168 = vector.broadcast %get3A_18 : vector<128x1xf32> to vector<128x256xf32>
      %max3A_169 = vector.broadcast %get3A_152 : vector<1x256xf32> to vector<128x256xf32>
      %max3A_170 = arith.maximumf %max3A_168, %max3A_169 : vector<128x256xf32>
      %max3A_171 = vector.broadcast %get3A_23 : vector<128x1xf32> to vector<128x256xf32>
      %max3A_172 = vector.broadcast %get3A_157 : vector<1x256xf32> to vector<128x256xf32>
      %max3A_173 = arith.maximumf %max3A_171, %max3A_172 : vector<128x256xf32>
      %min3A_174 = vector.broadcast %get3A_28 : vector<128x1xf32> to vector<128x256xf32>
      %min3A_175 = vector.broadcast %get3A_162 : vector<1x256xf32> to vector<128x256xf32>
      %min3A_176 = arith.minimumf %min3A_174, %min3A_175 : vector<128x256xf32>
      %min3A_177 = vector.broadcast %get3A_33 : vector<128x1xf32> to vector<128x256xf32>
      %min3A_178 = vector.broadcast %get3A_167 : vector<1x256xf32> to vector<128x256xf32>
      %min3A_179 = arith.minimumf %min3A_177, %min3A_178 : vector<128x256xf32>
      %sub3A_180 = arith.subf %min3A_176, %max3A_170 : vector<128x256xf32>
      %max3A_181 = arith.constant 0.000000e+00 : f32
      %max3A_182 = vector.broadcast %max3A_181 : f32 to vector<128x256xf32>
      %max3A_183 = arith.maximumf %sub3A_180, %max3A_182 : vector<128x256xf32>
      %sub3A_184 = arith.subf %min3A_179, %max3A_173 : vector<128x256xf32>
      %max3A_185 = arith.constant 0.000000e+00 : f32
      %max3A_186 = vector.broadcast %max3A_185 : f32 to vector<128x256xf32>
      %max3A_187 = arith.maximumf %sub3A_184, %max3A_186 : vector<128x256xf32>
      %mul3A_188 = arith.mulf %max3A_183, %max3A_187 : vector<128x256xf32>
      %add3A_189 = vector.broadcast %mul3A : vector<128x1xf32> to vector<128x256xf32>
      %add3A_190 = vector.broadcast %concatenate3A : vector<1x256xf32> to vector<128x256xf32>
      %add3A_191 = arith.addf %add3A_189, %add3A_190 : vector<128x256xf32>
      %sub3A_192 = arith.subf %add3A_191, %mul3A_188 : vector<128x256xf32>
      %max3A_193 = arith.constant 9.99999993E-9 : f32
      %max3A_194 = vector.broadcast %max3A_193 : f32 to vector<128x256xf32>
      %max3A_195 = arith.maximumf %sub3A_192, %max3A_194 : vector<128x256xf32>
      %div3A_196 = arith.divf %mul3A_188, %max3A_195 : vector<128x256xf32>
      %gt3A_197 = arith.constant 0.699999988 : f32
      %gt3A_198 = vector.broadcast %gt3A_197 : f32 to vector<128x256xf32>
      %gt3A_199 = arith.cmpf ogt, %div3A_196, %gt3A_198 : vector<128x256xf32>
      %mul3A_200 = arith.constant 256 : i32
      %mul3A_201 = arith.muli %select_n3A, %mul3A_200 : i32
      %iota3A_202 = tpu.iota {dimensions = array<i32: 1>} : vector<1x256xi32>
      %add3A_203 = vector.broadcast %mul3A_201 : i32 to vector<1x256xi32>
      %add3A_204 = arith.addi %add3A_203, %iota3A_202 : vector<1x256xi32>
      %gt3A_205 = vector.broadcast %add3A_204 : vector<1x256xi32> to vector<128x256xi32>
      %gt3A_206 = vector.broadcast %add3A_37 : vector<128x1xi32> to vector<128x256xi32>
      %gt3A_207 = arith.cmpi sgt, %gt3A_205, %gt3A_206 : vector<128x256xi32>
      %and3A_208 = arith.andi %gt3A_199, %gt3A_207 : vector<128x256xi1>
      %convert_element_type3A_209 = arith.extui %and3A_208 : vector<128x256xi1> to vector<128x256xi32>
      %convert_element_type3A_210 = arith.sitofp %convert_element_type3A_209 : vector<128x256xi32> to vector<128x256xf32>
      %convert_element_type3A_211 = arith.truncf %convert_element_type3A_210 : vector<128x256xf32> to vector<128x256xbf16>
      %dot_general3A = arith.constant dense<0.000000e+00> : vector<1x256xf32>
      %dot_general3A_212 = tpu.matmul %convert_element_type3A_112, %convert_element_type3A_211, %dot_general3A {dimension_numbers = #tpu.dot_dimension_numbers<[1], [0], [0], [1], [0, 0, 1, 1], [], []>, transpose_lhs_hint = false} : vector<1x128xbf16>, vector<128x256xbf16>, vector<1x256xf32> -> vector<1x256xf32>
      %le3A = arith.constant 5.000000e-01 : f32
      %le3A_213 = vector.broadcast %le3A : f32 to vector<1x256xf32>
      %le3A_214 = arith.cmpf ole, %dot_general3A_212, %le3A_213 : vector<1x256xf32>
      %convert_element_type3A_215 = arith.extui %le3A_214 : vector<1x256xi1> to vector<1x256xi32>
      %convert_element_type3A_216 = arith.sitofp %convert_element_type3A_215 : vector<1x256xi32> to vector<1x256xf32>
      %mul3A_217 = arith.constant 2 : i32
      %mul3A_218 = arith.muli %mul3A_217, %select_n3A : i32
      %get3A_219 = arith.index_cast %mul3A_218 : i32 to index
      %get3A_220 = arith.constant 0 : index
      %get3A_221 = arith.constant 0 : index
      %get3A_222 = vector.load %arg14[%get3A_219, %get3A_220, %get3A_221] : memref<40x1x128xf32, #tpu.memory_space<vmem>>, vector<1x1x128xf32>
      %get3A_223 = vector.shape_cast %get3A_222 : vector<1x1x128xf32> to vector<1x128xf32>
      %slice3A = vector.extract_strided_slice %convert_element_type3A_216 {offsets = [0, 0], sizes = [1, 128], strides = [1, 1]} : vector<1x256xf32> to vector<1x128xf32>
      %mul3A_224 = arith.mulf %get3A_223, %slice3A : vector<1x128xf32>
      %mul3A_225 = arith.constant 2 : i32
      %mul3A_226 = arith.muli %mul3A_225, %select_n3A : i32
      %swap3A_227 = arith.index_cast %mul3A_226 : i32 to index
      %swap3A_228 = arith.constant 0 : index
      %swap3A_229 = arith.constant 0 : index
      %swap3A_230 = vector.load %arg14[%swap3A_227, %swap3A_228, %swap3A_229] : memref<40x1x128xf32, #tpu.memory_space<vmem>>, vector<1x1x128xf32>
      %swap3A_231 = vector.shape_cast %swap3A_230 : vector<1x1x128xf32> to vector<1x128xf32>
      %swap3A_232 = vector.shape_cast %mul3A_224 : vector<1x128xf32> to vector<1x1x128xf32>
      tpu.vector_store %arg14[%swap3A_227, %swap3A_228, %swap3A_229], %swap3A_232 {strides = array<i32>} : memref<40x1x128xf32, #tpu.memory_space<vmem>>, vector<1x1x128xf32>,
      %mul3A_233 = arith.constant 2 : i32
      %mul3A_234 = arith.muli %mul3A_233, %select_n3A : i32
      %add3A_235 = arith.constant 1 : i32
      %add3A_236 = arith.addi %mul3A_234, %add3A_235 : i32
      %get3A_237 = arith.index_cast %add3A_236 : i32 to index
      %get3A_238 = arith.constant 0 : index
      %get3A_239 = arith.constant 0 : index
      %get3A_240 = vector.load %arg14[%get3A_237, %get3A_238, %get3A_239] : memref<40x1x128xf32, #tpu.memory_space<vmem>>, vector<1x1x128xf32>
      %get3A_241 = vector.shape_cast %get3A_240 : vector<1x1x128xf32> to vector<1x128xf32>
      %slice3A_242 = vector.extract_strided_slice %convert_element_type3A_216 {offsets = [0, 128], sizes = [1, 128], strides = [1, 1]} : vector<1x256xf32> to vector<1x128xf32>
      %mul3A_243 = arith.mulf %get3A_241, %slice3A_242 : vector<1x128xf32>
      %mul3A_244 = arith.constant 2 : i32
      %mul3A_245 = arith.muli %mul3A_244, %select_n3A : i32
      %add3A_246 = arith.constant 1 : i32
      %add3A_247 = arith.addi %mul3A_245, %add3A_246 : i32
      %swap3A_248 = arith.index_cast %add3A_247 : i32 to index
      %swap3A_249 = arith.constant 0 : index
      %swap3A_250 = arith.constant 0 : index
      %swap3A_251 = vector.load %arg14[%swap3A_248, %swap3A_249, %swap3A_250] : memref<40x1x128xf32, #tpu.memory_space<vmem>>, vector<1x1x128xf32>
      %swap3A_252 = vector.shape_cast %swap3A_251 : vector<1x1x128xf32> to vector<1x128xf32>
      %swap3A_253 = vector.shape_cast %mul3A_243 : vector<1x128xf32> to vector<1x1x128xf32>
      tpu.vector_store %arg14[%swap3A_248, %swap3A_249, %swap3A_250], %swap3A_253 {strides = array<i32>} : memref<40x1x128xf32, #tpu.memory_space<vmem>>, vector<1x1x128xf32>,
      %jit3A_254 = arith.constant 2 : i32
      %div3A_255 = arith.divsi %scan3A_14, %jit3A_254 : i32
      %sign3A_256 = arith.constant 0 : i32
      %sign3A_257 = arith.cmpi sgt, %scan3A_14, %sign3A_256 : i32
      %sign3A_258 = arith.extui %sign3A_257 : i1 to i32
      %sign3A_259 = arith.constant 0 : i32
      %sign3A_260 = arith.cmpi slt, %scan3A_14, %sign3A_259 : i32
      %sign3A_261 = arith.extui %sign3A_260 : i1 to i32
      %sign3A_262 = arith.subi %sign3A_258, %sign3A_261 : i32
      %sign3A_263 = arith.constant 0 : i32
      %sign3A_264 = arith.cmpi sgt, %jit3A_254, %sign3A_263 : i32
      %sign3A_265 = arith.extui %sign3A_264 : i1 to i32
      %sign3A_266 = arith.constant 0 : i32
      %sign3A_267 = arith.cmpi slt, %jit3A_254, %sign3A_266 : i32
      %sign3A_268 = arith.extui %sign3A_267 : i1 to i32
      %sign3A_269 = arith.subi %sign3A_265, %sign3A_268 : i32
      %ne3A_270 = arith.cmpi ne, %sign3A_262, %sign3A_269 : i32
      %rem3A_271 = arith.remsi %scan3A_14, %jit3A_254 : i32
      %ne3A_272 = arith.constant 0 : i32
      %ne3A_273 = arith.cmpi ne, %rem3A_271, %ne3A_272 : i32
      %and3A_274 = arith.andi %ne3A_270, %ne3A_273 : i1
      %sub3A_275 = arith.constant 1 : i32
      %sub3A_276 = arith.subi %div3A_255, %sub3A_275 : i32
      %select_n3A_277 = arith.select %and3A_274, %sub3A_276, %div3A_255 : i32
      %add3A_278 = arith.constant 1 : i32
      %add3A_279 = arith.addi %select_n3A_277, %add3A_278 : i32
      %sub3A_280 = arith.constant 20 : i32
      %sub3A_281 = arith.subi %sub3A_280, %add3A_279 : i32
      %jit3A_282 = arith.constant 4 : i32
      %div3A_283 = arith.divsi %sub3A_281, %jit3A_282 : i32
      %sign3A_284 = arith.constant 0 : i32
      %sign3A_285 = arith.cmpi sgt, %sub3A_281, %sign3A_284 : i32
      %sign3A_286 = arith.extui %sign3A_285 : i1 to i32
      %sign3A_287 = arith.constant 0 : i32
      %sign3A_288 = arith.cmpi slt, %sub3A_281, %sign3A_287 : i32
      %sign3A_289 = arith.extui %sign3A_288 : i1 to i32
      %sign3A_290 = arith.subi %sign3A_286, %sign3A_289 : i32
      %sign3A_291 = arith.constant 0 : i32
      %sign3A_292 = arith.cmpi sgt, %jit3A_282, %sign3A_291 : i32
      %sign3A_293 = arith.extui %sign3A_292 : i1 to i32
      %sign3A_294 = arith.constant 0 : i32
      %sign3A_295 = arith.cmpi slt, %jit3A_282, %sign3A_294 : i32
      %sign3A_296 = arith.extui %sign3A_295 : i1 to i32
      %sign3A_297 = arith.subi %sign3A_293, %sign3A_296 : i32
      %ne3A_298 = arith.cmpi ne, %sign3A_290, %sign3A_297 : i32
      %rem3A_299 = arith.remsi %sub3A_281, %jit3A_282 : i32
      %ne3A_300 = arith.constant 0 : i32
      %ne3A_301 = arith.cmpi ne, %rem3A_299, %ne3A_300 : i32
      %and3A_302 = arith.andi %ne3A_298, %ne3A_301 : i1
      %sub3A_303 = arith.constant 1 : i32
      %sub3A_304 = arith.subi %div3A_283, %sub3A_303 : i32
      %select_n3A_305 = arith.select %and3A_302, %sub3A_304, %div3A_283 : i32
      %while3A_306 = arith.constant 0 : i32
      %while3A_307 = arith.constant 0 : i32
      %while3A_308 = arith.subi %select_n3A_305, %while3A_307 : i32
      %while3A_309 = arith.addi %while3A_307, %while3A_308 : i32
      %while3A_310 = arith.constant 1 : i32
      %while3A_311 = arith.divsi %while3A_308, %while3A_310 : i32
      %while3A_312 = arith.muli %while3A_311, %while3A_310 : i32
      %while3A_313 = arith.addi %while3A_307, %while3A_312 : i32
      %while3A_314 = arith.constant 1 : i32
      scf.for %while3A_378 = %while3A_307 to %while3A_313 step %while3A_314  : i32 {
        %mul3A_379 = arith.constant 4 : i32
        %mul3A_380 = arith.muli %mul3A_379, %while3A_378 : i32
        %add3A_381 = arith.addi %add3A_279, %mul3A_380 : i32
        %mul3A_382 = arith.constant 2 : i32
        %mul3A_383 = arith.muli %mul3A_382, %add3A_381 : i32
        %get3A_384 = arith.index_cast %mul3A_383 : i32 to index
        %get3A_385 = arith.constant 0 : index
        %get3A_386 = arith.constant 0 : index
        %get3A_387 = vector.load %arg15[%get3A_384, %get3A_385, %get3A_386] : memref<40x1x128xf32, #tpu.memory_space<vmem>>, vector<1x1x128xf32>
        %get3A_388 = vector.shape_cast %get3A_387 : vector<1x1x128xf32> to vector<1x128xf32>
        %mul3A_389 = arith.constant 2 : i32
        %mul3A_390 = arith.muli %mul3A_389, %add3A_381 : i32
        %add3A_391 = arith.constant 1 : i32
        %add3A_392 = arith.addi %mul3A_390, %add3A_391 : i32
        %get3A_393 = arith.index_cast %add3A_392 : i32 to index
        %get3A_394 = arith.constant 0 : index
        %get3A_395 = arith.constant 0 : index
        %get3A_396 = vector.load %arg15[%get3A_393, %get3A_394, %get3A_395] : memref<40x1x128xf32, #tpu.memory_space<vmem>>, vector<1x1x128xf32>
        %get3A_397 = vector.shape_cast %get3A_396 : vector<1x1x128xf32> to vector<1x128xf32>
        %concatenate3A_398 = tpu.concatenate %get3A_388, %get3A_397 in 1 : vector<1x128xf32>, vector<1x128xf32> -> vector<1x256xf32>
        %get3A_399 = arith.index_cast %add3A_381 : i32 to index
        %get3A_400 = arith.constant 0 : index
        %get3A_401 = arith.constant 0 : index
        %get3A_402 = vector.load %arg4[%get3A_399, %get3A_400, %get3A_401] : memref<20x1x256xf32, #tpu.memory_space<vmem>>, vector<1x1x256xf32>
        %get3A_403 = vector.shape_cast %get3A_402 : vector<1x1x256xf32> to vector<1x256xf32>
        %get3A_404 = arith.index_cast %add3A_381 : i32 to index
        %get3A_405 = arith.constant 0 : index
        %get3A_406 = arith.constant 0 : index
        %get3A_407 = vector.load %arg5[%get3A_404, %get3A_405, %get3A_406] : memref<20x1x256xf32, #tpu.memory_space<vmem>>, vector<1x1x256xf32>
        %get3A_408 = vector.shape_cast %get3A_407 : vector<1x1x256xf32> to vector<1x256xf32>
        %get3A_409 = arith.index_cast %add3A_381 : i32 to index
        %get3A_410 = arith.constant 0 : index
        %get3A_411 = arith.constant 0 : index
        %get3A_412 = vector.load %arg6[%get3A_409, %get3A_410, %get3A_411] : memref<20x1x256xf32, #tpu.memory_space<vmem>>, vector<1x1x256xf32>
        %get3A_413 = vector.shape_cast %get3A_412 : vector<1x1x256xf32> to vector<1x256xf32>
        %get3A_414 = arith.index_cast %add3A_381 : i32 to index
        %get3A_415 = arith.constant 0 : index
        %get3A_416 = arith.constant 0 : index
        %get3A_417 = vector.load %arg7[%get3A_414, %get3A_415, %get3A_416] : memref<20x1x256xf32, #tpu.memory_space<vmem>>, vector<1x1x256xf32>
        %get3A_418 = vector.shape_cast %get3A_417 : vector<1x1x256xf32> to vector<1x256xf32>
        %max3A_419 = vector.broadcast %get3A_18 : vector<128x1xf32> to vector<128x256xf32>
        %max3A_420 = vector.broadcast %get3A_403 : vector<1x256xf32> to vector<128x256xf32>
        %max3A_421 = arith.maximumf %max3A_419, %max3A_420 : vector<128x256xf32>
        %max3A_422 = vector.broadcast %get3A_23 : vector<128x1xf32> to vector<128x256xf32>
        %max3A_423 = vector.broadcast %get3A_408 : vector<1x256xf32> to vector<128x256xf32>
        %max3A_424 = arith.maximumf %max3A_422, %max3A_423 : vector<128x256xf32>
        %min3A_425 = vector.broadcast %get3A_28 : vector<128x1xf32> to vector<128x256xf32>
        %min3A_426 = vector.broadcast %get3A_413 : vector<1x256xf32> to vector<128x256xf32>
        %min3A_427 = arith.minimumf %min3A_425, %min3A_426 : vector<128x256xf32>
        %min3A_428 = vector.broadcast %get3A_33 : vector<128x1xf32> to vector<128x256xf32>
        %min3A_429 = vector.broadcast %get3A_418 : vector<1x256xf32> to vector<128x256xf32>
        %min3A_430 = arith.minimumf %min3A_428, %min3A_429 : vector<128x256xf32>
        %sub3A_431 = arith.subf %min3A_427, %max3A_421 : vector<128x256xf32>
        %max3A_432 = arith.constant 0.000000e+00 : f32
        %max3A_433 = vector.broadcast %max3A_432 : f32 to vector<128x256xf32>
        %max3A_434 = arith.maximumf %sub3A_431, %max3A_433 : vector<128x256xf32>
        %sub3A_435 = arith.subf %min3A_430, %max3A_424 : vector<128x256xf32>
        %max3A_436 = arith.constant 0.000000e+00 : f32
        %max3A_437 = vector.broadcast %max3A_436 : f32 to vector<128x256xf32>
        %max3A_438 = arith.maximumf %sub3A_435, %max3A_437 : vector<128x256xf32>
        %mul3A_439 = arith.mulf %max3A_434, %max3A_438 : vector<128x256xf32>
        %add3A_440 = vector.broadcast %mul3A : vector<128x1xf32> to vector<128x256xf32>
        %add3A_441 = vector.broadcast %concatenate3A_398 : vector<1x256xf32> to vector<128x256xf32>
        %add3A_442 = arith.addf %add3A_440, %add3A_441 : vector<128x256xf32>
        %sub3A_443 = arith.subf %add3A_442, %mul3A_439 : vector<128x256xf32>
        %max3A_444 = arith.constant 9.99999993E-9 : f32
        %max3A_445 = vector.broadcast %max3A_444 : f32 to vector<128x256xf32>
        %max3A_446 = arith.maximumf %sub3A_443, %max3A_445 : vector<128x256xf32>
        %div3A_447 = arith.divf %mul3A_439, %max3A_446 : vector<128x256xf32>
        %gt3A_448 = arith.constant 0.699999988 : f32
        %gt3A_449 = vector.broadcast %gt3A_448 : f32 to vector<128x256xf32>
        %gt3A_450 = arith.cmpf ogt, %div3A_447, %gt3A_449 : vector<128x256xf32>
        %convert_element_type3A_451 = arith.extui %gt3A_450 : vector<128x256xi1> to vector<128x256xi32>
        %convert_element_type3A_452 = arith.sitofp %convert_element_type3A_451 : vector<128x256xi32> to vector<128x256xf32>
        %convert_element_type3A_453 = arith.truncf %convert_element_type3A_452 : vector<128x256xf32> to vector<128x256xbf16>
        %dot_general3A_454 = arith.constant dense<0.000000e+00> : vector<1x256xf32>
        %dot_general3A_455 = tpu.matmul %convert_element_type3A_112, %convert_element_type3A_453, %dot_general3A_454 {dimension_numbers = #tpu.dot_dimension_numbers<[1], [0], [0], [1], [0, 0, 1, 1], [], []>, transpose_lhs_hint = false} : vector<1x128xbf16>, vector<128x256xbf16>, vector<1x256xf32> -> vector<1x256xf32>
        %le3A_456 = arith.constant 5.000000e-01 : f32
        %le3A_457 = vector.broadcast %le3A_456 : f32 to vector<1x256xf32>
        %le3A_458 = arith.cmpf ole, %dot_general3A_455, %le3A_457 : vector<1x256xf32>
        %convert_element_type3A_459 = arith.extui %le3A_458 : vector<1x256xi1> to vector<1x256xi32>
        %convert_element_type3A_460 = arith.sitofp %convert_element_type3A_459 : vector<1x256xi32> to vector<1x256xf32>
        %mul3A_461 = arith.constant 2 : i32
        %mul3A_462 = arith.muli %mul3A_461, %add3A_381 : i32
        %get3A_463 = arith.index_cast %mul3A_462 : i32 to index
        %get3A_464 = arith.constant 0 : index
        %get3A_465 = arith.constant 0 : index
        %get3A_466 = vector.load %arg14[%get3A_463, %get3A_464, %get3A_465] : memref<40x1x128xf32, #tpu.memory_space<vmem>>, vector<1x1x128xf32>
        %get3A_467 = vector.shape_cast %get3A_466 : vector<1x1x128xf32> to vector<1x128xf32>
        %slice3A_468 = vector.extract_strided_slice %convert_element_type3A_460 {offsets = [0, 0], sizes = [1, 128], strides = [1, 1]} : vector<1x256xf32> to vector<1x128xf32>
        %mul3A_469 = arith.mulf %get3A_467, %slice3A_468 : vector<1x128xf32>
        %mul3A_470 = arith.constant 2 : i32
        %mul3A_471 = arith.muli %mul3A_470, %add3A_381 : i32
        %swap3A_472 = arith.index_cast %mul3A_471 : i32 to index
        %swap3A_473 = arith.constant 0 : index
        %swap3A_474 = arith.constant 0 : index
        %swap3A_475 = vector.load %arg14[%swap3A_472, %swap3A_473, %swap3A_474] : memref<40x1x128xf32, #tpu.memory_space<vmem>>, vector<1x1x128xf32>
        %swap3A_476 = vector.shape_cast %swap3A_475 : vector<1x1x128xf32> to vector<1x128xf32>
        %swap3A_477 = vector.shape_cast %mul3A_469 : vector<1x128xf32> to vector<1x1x128xf32>
        tpu.vector_store %arg14[%swap3A_472, %swap3A_473, %swap3A_474], %swap3A_477 {strides = array<i32>} : memref<40x1x128xf32, #tpu.memory_space<vmem>>, vector<1x1x128xf32>,
        %mul3A_478 = arith.constant 2 : i32
        %mul3A_479 = arith.muli %mul3A_478, %add3A_381 : i32
        %add3A_480 = arith.constant 1 : i32
        %add3A_481 = arith.addi %mul3A_479, %add3A_480 : i32
        %get3A_482 = arith.index_cast %add3A_481 : i32 to index
        %get3A_483 = arith.constant 0 : index
        %get3A_484 = arith.constant 0 : index
        %get3A_485 = vector.load %arg14[%get3A_482, %get3A_483, %get3A_484] : memref<40x1x128xf32, #tpu.memory_space<vmem>>, vector<1x1x128xf32>
        %get3A_486 = vector.shape_cast %get3A_485 : vector<1x1x128xf32> to vector<1x128xf32>
        %slice3A_487 = vector.extract_strided_slice %convert_element_type3A_460 {offsets = [0, 128], sizes = [1, 128], strides = [1, 1]} : vector<1x256xf32> to vector<1x128xf32>
        %mul3A_488 = arith.mulf %get3A_486, %slice3A_487 : vector<1x128xf32>
        %mul3A_489 = arith.constant 2 : i32
        %mul3A_490 = arith.muli %mul3A_489, %add3A_381 : i32
        %add3A_491 = arith.constant 1 : i32
        %add3A_492 = arith.addi %mul3A_490, %add3A_491 : i32
        %swap3A_493 = arith.index_cast %add3A_492 : i32 to index
        %swap3A_494 = arith.constant 0 : index
        %swap3A_495 = arith.constant 0 : index
        %swap3A_496 = vector.load %arg14[%swap3A_493, %swap3A_494, %swap3A_495] : memref<40x1x128xf32, #tpu.memory_space<vmem>>, vector<1x1x128xf32>
        %swap3A_497 = vector.shape_cast %swap3A_496 : vector<1x1x128xf32> to vector<1x128xf32>
        %swap3A_498 = vector.shape_cast %mul3A_488 : vector<1x128xf32> to vector<1x1x128xf32>
        tpu.vector_store %arg14[%swap3A_493, %swap3A_494, %swap3A_495], %swap3A_498 {strides = array<i32>} : memref<40x1x128xf32, #tpu.memory_space<vmem>>, vector<1x1x128xf32>,
        %add3A_499 = arith.constant 1 : i32
        %add3A_500 = arith.addi %add3A_381, %add3A_499 : i32
        %mul3A_501 = arith.constant 2 : i32
        %mul3A_502 = arith.muli %mul3A_501, %add3A_500 : i32
        %get3A_503 = arith.index_cast %mul3A_502 : i32 to index
        %get3A_504 = arith.constant 0 : index
        %get3A_505 = arith.constant 0 : index
        %get3A_506 = vector.load %arg15[%get3A_503, %get3A_504, %get3A_505] : memref<40x1x128xf32, #tpu.memory_space<vmem>>, vector<1x1x128xf32>
        %get3A_507 = vector.shape_cast %get3A_506 : vector<1x1x128xf32> to vector<1x128xf32>
        %mul3A_508 = arith.constant 2 : i32
        %mul3A_509 = arith.muli %mul3A_508, %add3A_500 : i32
        %add3A_510 = arith.constant 1 : i32
        %add3A_511 = arith.addi %mul3A_509, %add3A_510 : i32
        %get3A_512 = arith.index_cast %add3A_511 : i32 to index
        %get3A_513 = arith.constant 0 : index
        %get3A_514 = arith.constant 0 : index
        %get3A_515 = vector.load %arg15[%get3A_512, %get3A_513, %get3A_514] : memref<40x1x128xf32, #tpu.memory_space<vmem>>, vector<1x1x128xf32>
        %get3A_516 = vector.shape_cast %get3A_515 : vector<1x1x128xf32> to vector<1x128xf32>
        %concatenate3A_517 = tpu.concatenate %get3A_507, %get3A_516 in 1 : vector<1x128xf32>, vector<1x128xf32> -> vector<1x256xf32>
        %get3A_518 = arith.index_cast %add3A_500 : i32 to index
        %get3A_519 = arith.constant 0 : index
        %get3A_520 = arith.constant 0 : index
        %get3A_521 = vector.load %arg4[%get3A_518, %get3A_519, %get3A_520] : memref<20x1x256xf32, #tpu.memory_space<vmem>>, vector<1x1x256xf32>
        %get3A_522 = vector.shape_cast %get3A_521 : vector<1x1x256xf32> to vector<1x256xf32>
        %get3A_523 = arith.index_cast %add3A_500 : i32 to index
        %get3A_524 = arith.constant 0 : index
        %get3A_525 = arith.constant 0 : index
        %get3A_526 = vector.load %arg5[%get3A_523, %get3A_524, %get3A_525] : memref<20x1x256xf32, #tpu.memory_space<vmem>>, vector<1x1x256xf32>
        %get3A_527 = vector.shape_cast %get3A_526 : vector<1x1x256xf32> to vector<1x256xf32>
        %get3A_528 = arith.index_cast %add3A_500 : i32 to index
        %get3A_529 = arith.constant 0 : index
        %get3A_530 = arith.constant 0 : index
        %get3A_531 = vector.load %arg6[%get3A_528, %get3A_529, %get3A_530] : memref<20x1x256xf32, #tpu.memory_space<vmem>>, vector<1x1x256xf32>
        %get3A_532 = vector.shape_cast %get3A_531 : vector<1x1x256xf32> to vector<1x256xf32>
        %get3A_533 = arith.index_cast %add3A_500 : i32 to index
        %get3A_534 = arith.constant 0 : index
        %get3A_535 = arith.constant 0 : index
        %get3A_536 = vector.load %arg7[%get3A_533, %get3A_534, %get3A_535] : memref<20x1x256xf32, #tpu.memory_space<vmem>>, vector<1x1x256xf32>
        %get3A_537 = vector.shape_cast %get3A_536 : vector<1x1x256xf32> to vector<1x256xf32>
        %max3A_538 = vector.broadcast %get3A_18 : vector<128x1xf32> to vector<128x256xf32>
        %max3A_539 = vector.broadcast %get3A_522 : vector<1x256xf32> to vector<128x256xf32>
        %max3A_540 = arith.maximumf %max3A_538, %max3A_539 : vector<128x256xf32>
        %max3A_541 = vector.broadcast %get3A_23 : vector<128x1xf32> to vector<128x256xf32>
        %max3A_542 = vector.broadcast %get3A_527 : vector<1x256xf32> to vector<128x256xf32>
        %max3A_543 = arith.maximumf %max3A_541, %max3A_542 : vector<128x256xf32>
        %min3A_544 = vector.broadcast %get3A_28 : vector<128x1xf32> to vector<128x256xf32>
        %min3A_545 = vector.broadcast %get3A_532 : vector<1x256xf32> to vector<128x256xf32>
        %min3A_546 = arith.minimumf %min3A_544, %min3A_545 : vector<128x256xf32>
        %min3A_547 = vector.broadcast %get3A_33 : vector<128x1xf32> to vector<128x256xf32>
        %min3A_548 = vector.broadcast %get3A_537 : vector<1x256xf32> to vector<128x256xf32>
        %min3A_549 = arith.minimumf %min3A_547, %min3A_548 : vector<128x256xf32>
        %sub3A_550 = arith.subf %min3A_546, %max3A_540 : vector<128x256xf32>
        %max3A_551 = arith.constant 0.000000e+00 : f32
        %max3A_552 = vector.broadcast %max3A_551 : f32 to vector<128x256xf32>
        %max3A_553 = arith.maximumf %sub3A_550, %max3A_552 : vector<128x256xf32>
        %sub3A_554 = arith.subf %min3A_549, %max3A_543 : vector<128x256xf32>
        %max3A_555 = arith.constant 0.000000e+00 : f32
        %max3A_556 = vector.broadcast %max3A_555 : f32 to vector<128x256xf32>
        %max3A_557 = arith.maximumf %sub3A_554, %max3A_556 : vector<128x256xf32>
        %mul3A_558 = arith.mulf %max3A_553, %max3A_557 : vector<128x256xf32>
        %add3A_559 = vector.broadcast %mul3A : vector<128x1xf32> to vector<128x256xf32>
        %add3A_560 = vector.broadcast %concatenate3A_517 : vector<1x256xf32> to vector<128x256xf32>
        %add3A_561 = arith.addf %add3A_559, %add3A_560 : vector<128x256xf32>
        %sub3A_562 = arith.subf %add3A_561, %mul3A_558 : vector<128x256xf32>
        %max3A_563 = arith.constant 9.99999993E-9 : f32
        %max3A_564 = vector.broadcast %max3A_563 : f32 to vector<128x256xf32>
        %max3A_565 = arith.maximumf %sub3A_562, %max3A_564 : vector<128x256xf32>
        %div3A_566 = arith.divf %mul3A_558, %max3A_565 : vector<128x256xf32>
        %gt3A_567 = arith.constant 0.699999988 : f32
        %gt3A_568 = vector.broadcast %gt3A_567 : f32 to vector<128x256xf32>
        %gt3A_569 = arith.cmpf ogt, %div3A_566, %gt3A_568 : vector<128x256xf32>
        %convert_element_type3A_570 = arith.extui %gt3A_569 : vector<128x256xi1> to vector<128x256xi32>
        %convert_element_type3A_571 = arith.sitofp %convert_element_type3A_570 : vector<128x256xi32> to vector<128x256xf32>
        %convert_element_type3A_572 = arith.truncf %convert_element_type3A_571 : vector<128x256xf32> to vector<128x256xbf16>
        %dot_general3A_573 = arith.constant dense<0.000000e+00> : vector<1x256xf32>
        %dot_general3A_574 = tpu.matmul %convert_element_type3A_112, %convert_element_type3A_572, %dot_general3A_573 {dimension_numbers = #tpu.dot_dimension_numbers<[1], [0], [0], [1], [0, 0, 1, 1], [], []>, transpose_lhs_hint = false} : vector<1x128xbf16>, vector<128x256xbf16>, vector<1x256xf32> -> vector<1x256xf32>
        %le3A_575 = arith.constant 5.000000e-01 : f32
        %le3A_576 = vector.broadcast %le3A_575 : f32 to vector<1x256xf32>
        %le3A_577 = arith.cmpf ole, %dot_general3A_574, %le3A_576 : vector<1x256xf32>
        %convert_element_type3A_578 = arith.extui %le3A_577 : vector<1x256xi1> to vector<1x256xi32>
        %convert_element_type3A_579 = arith.sitofp %convert_element_type3A_578 : vector<1x256xi32> to vector<1x256xf32>
        %mul3A_580 = arith.constant 2 : i32
        %mul3A_581 = arith.muli %mul3A_580, %add3A_500 : i32
        %get3A_582 = arith.index_cast %mul3A_581 : i32 to index
        %get3A_583 = arith.constant 0 : index
        %get3A_584 = arith.constant 0 : index
        %get3A_585 = vector.load %arg14[%get3A_582, %get3A_583, %get3A_584] : memref<40x1x128xf32, #tpu.memory_space<vmem>>, vector<1x1x128xf32>
        %get3A_586 = vector.shape_cast %get3A_585 : vector<1x1x128xf32> to vector<1x128xf32>
        %slice3A_587 = vector.extract_strided_slice %convert_element_type3A_579 {offsets = [0, 0], sizes = [1, 128], strides = [1, 1]} : vector<1x256xf32> to vector<1x128xf32>
        %mul3A_588 = arith.mulf %get3A_586, %slice3A_587 : vector<1x128xf32>
        %mul3A_589 = arith.constant 2 : i32
        %mul3A_590 = arith.muli %mul3A_589, %add3A_500 : i32
        %swap3A_591 = arith.index_cast %mul3A_590 : i32 to index
        %swap3A_592 = arith.constant 0 : index
        %swap3A_593 = arith.constant 0 : index
        %swap3A_594 = vector.load %arg14[%swap3A_591, %swap3A_592, %swap3A_593] : memref<40x1x128xf32, #tpu.memory_space<vmem>>, vector<1x1x128xf32>
        %swap3A_595 = vector.shape_cast %swap3A_594 : vector<1x1x128xf32> to vector<1x128xf32>
        %swap3A_596 = vector.shape_cast %mul3A_588 : vector<1x128xf32> to vector<1x1x128xf32>
        tpu.vector_store %arg14[%swap3A_591, %swap3A_592, %swap3A_593], %swap3A_596 {strides = array<i32>} : memref<40x1x128xf32, #tpu.memory_space<vmem>>, vector<1x1x128xf32>,
        %mul3A_597 = arith.constant 2 : i32
        %mul3A_598 = arith.muli %mul3A_597, %add3A_500 : i32
        %add3A_599 = arith.constant 1 : i32
        %add3A_600 = arith.addi %mul3A_598, %add3A_599 : i32
        %get3A_601 = arith.index_cast %add3A_600 : i32 to index
        %get3A_602 = arith.constant 0 : index
        %get3A_603 = arith.constant 0 : index
        %get3A_604 = vector.load %arg14[%get3A_601, %get3A_602, %get3A_603] : memref<40x1x128xf32, #tpu.memory_space<vmem>>, vector<1x1x128xf32>
        %get3A_605 = vector.shape_cast %get3A_604 : vector<1x1x128xf32> to vector<1x128xf32>
        %slice3A_606 = vector.extract_strided_slice %convert_element_type3A_579 {offsets = [0, 128], sizes = [1, 128], strides = [1, 1]} : vector<1x256xf32> to vector<1x128xf32>
        %mul3A_607 = arith.mulf %get3A_605, %slice3A_606 : vector<1x128xf32>
        %mul3A_608 = arith.constant 2 : i32
        %mul3A_609 = arith.muli %mul3A_608, %add3A_500 : i32
        %add3A_610 = arith.constant 1 : i32
        %add3A_611 = arith.addi %mul3A_609, %add3A_610 : i32
        %swap3A_612 = arith.index_cast %add3A_611 : i32 to index
        %swap3A_613 = arith.constant 0 : index
        %swap3A_614 = arith.constant 0 : index
        %swap3A_615 = vector.load %arg14[%swap3A_612, %swap3A_613, %swap3A_614] : memref<40x1x128xf32, #tpu.memory_space<vmem>>, vector<1x1x128xf32>
        %swap3A_616 = vector.shape_cast %swap3A_615 : vector<1x1x128xf32> to vector<1x128xf32>
        %swap3A_617 = vector.shape_cast %mul3A_607 : vector<1x128xf32> to vector<1x1x128xf32>
        tpu.vector_store %arg14[%swap3A_612, %swap3A_613, %swap3A_614], %swap3A_617 {strides = array<i32>} : memref<40x1x128xf32, #tpu.memory_space<vmem>>, vector<1x1x128xf32>,
        %add3A_618 = arith.constant 2 : i32
        %add3A_619 = arith.addi %add3A_381, %add3A_618 : i32
        %mul3A_620 = arith.constant 2 : i32
        %mul3A_621 = arith.muli %mul3A_620, %add3A_619 : i32
        %get3A_622 = arith.index_cast %mul3A_621 : i32 to index
        %get3A_623 = arith.constant 0 : index
        %get3A_624 = arith.constant 0 : index
        %get3A_625 = vector.load %arg15[%get3A_622, %get3A_623, %get3A_624] : memref<40x1x128xf32, #tpu.memory_space<vmem>>, vector<1x1x128xf32>
        %get3A_626 = vector.shape_cast %get3A_625 : vector<1x1x128xf32> to vector<1x128xf32>
        %mul3A_627 = arith.constant 2 : i32
        %mul3A_628 = arith.muli %mul3A_627, %add3A_619 : i32
        %add3A_629 = arith.constant 1 : i32
        %add3A_630 = arith.addi %mul3A_628, %add3A_629 : i32
        %get3A_631 = arith.index_cast %add3A_630 : i32 to index
        %get3A_632 = arith.constant 0 : index
        %get3A_633 = arith.constant 0 : index
        %get3A_634 = vector.load %arg15[%get3A_631, %get3A_632, %get3A_633] : memref<40x1x128xf32, #tpu.memory_space<vmem>>, vector<1x1x128xf32>
        %get3A_635 = vector.shape_cast %get3A_634 : vector<1x1x128xf32> to vector<1x128xf32>
        %concatenate3A_636 = tpu.concatenate %get3A_626, %get3A_635 in 1 : vector<1x128xf32>, vector<1x128xf32> -> vector<1x256xf32>
        %get3A_637 = arith.index_cast %add3A_619 : i32 to index
        %get3A_638 = arith.constant 0 : index
        %get3A_639 = arith.constant 0 : index
        %get3A_640 = vector.load %arg4[%get3A_637, %get3A_638, %get3A_639] : memref<20x1x256xf32, #tpu.memory_space<vmem>>, vector<1x1x256xf32>
        %get3A_641 = vector.shape_cast %get3A_640 : vector<1x1x256xf32> to vector<1x256xf32>
        %get3A_642 = arith.index_cast %add3A_619 : i32 to index
        %get3A_643 = arith.constant 0 : index
        %get3A_644 = arith.constant 0 : index
        %get3A_645 = vector.load %arg5[%get3A_642, %get3A_643, %get3A_644] : memref<20x1x256xf32, #tpu.memory_space<vmem>>, vector<1x1x256xf32>
        %get3A_646 = vector.shape_cast %get3A_645 : vector<1x1x256xf32> to vector<1x256xf32>
        %get3A_647 = arith.index_cast %add3A_619 : i32 to index
        %get3A_648 = arith.constant 0 : index
        %get3A_649 = arith.constant 0 : index
        %get3A_650 = vector.load %arg6[%get3A_647, %get3A_648, %get3A_649] : memref<20x1x256xf32, #tpu.memory_space<vmem>>, vector<1x1x256xf32>
        %get3A_651 = vector.shape_cast %get3A_650 : vector<1x1x256xf32> to vector<1x256xf32>
        %get3A_652 = arith.index_cast %add3A_619 : i32 to index
        %get3A_653 = arith.constant 0 : index
        %get3A_654 = arith.constant 0 : index
        %get3A_655 = vector.load %arg7[%get3A_652, %get3A_653, %get3A_654] : memref<20x1x256xf32, #tpu.memory_space<vmem>>, vector<1x1x256xf32>
        %get3A_656 = vector.shape_cast %get3A_655 : vector<1x1x256xf32> to vector<1x256xf32>
        %max3A_657 = vector.broadcast %get3A_18 : vector<128x1xf32> to vector<128x256xf32>
        %max3A_658 = vector.broadcast %get3A_641 : vector<1x256xf32> to vector<128x256xf32>
        %max3A_659 = arith.maximumf %max3A_657, %max3A_658 : vector<128x256xf32>
        %max3A_660 = vector.broadcast %get3A_23 : vector<128x1xf32> to vector<128x256xf32>
        %max3A_661 = vector.broadcast %get3A_646 : vector<1x256xf32> to vector<128x256xf32>
        %max3A_662 = arith.maximumf %max3A_660, %max3A_661 : vector<128x256xf32>
        %min3A_663 = vector.broadcast %get3A_28 : vector<128x1xf32> to vector<128x256xf32>
        %min3A_664 = vector.broadcast %get3A_651 : vector<1x256xf32> to vector<128x256xf32>
        %min3A_665 = arith.minimumf %min3A_663, %min3A_664 : vector<128x256xf32>
        %min3A_666 = vector.broadcast %get3A_33 : vector<128x1xf32> to vector<128x256xf32>
        %min3A_667 = vector.broadcast %get3A_656 : vector<1x256xf32> to vector<128x256xf32>
        %min3A_668 = arith.minimumf %min3A_666, %min3A_667 : vector<128x256xf32>
        %sub3A_669 = arith.subf %min3A_665, %max3A_659 : vector<128x256xf32>
        %max3A_670 = arith.constant 0.000000e+00 : f32
        %max3A_671 = vector.broadcast %max3A_670 : f32 to vector<128x256xf32>
        %max3A_672 = arith.maximumf %sub3A_669, %max3A_671 : vector<128x256xf32>
        %sub3A_673 = arith.subf %min3A_668, %max3A_662 : vector<128x256xf32>
        %max3A_674 = arith.constant 0.000000e+00 : f32
        %max3A_675 = vector.broadcast %max3A_674 : f32 to vector<128x256xf32>
        %max3A_676 = arith.maximumf %sub3A_673, %max3A_675 : vector<128x256xf32>
        %mul3A_677 = arith.mulf %max3A_672, %max3A_676 : vector<128x256xf32>
        %add3A_678 = vector.broadcast %mul3A : vector<128x1xf32> to vector<128x256xf32>
        %add3A_679 = vector.broadcast %concatenate3A_636 : vector<1x256xf32> to vector<128x256xf32>
        %add3A_680 = arith.addf %add3A_678, %add3A_679 : vector<128x256xf32>
        %sub3A_681 = arith.subf %add3A_680, %mul3A_677 : vector<128x256xf32>
        %max3A_682 = arith.constant 9.99999993E-9 : f32
        %max3A_683 = vector.broadcast %max3A_682 : f32 to vector<128x256xf32>
        %max3A_684 = arith.maximumf %sub3A_681, %max3A_683 : vector<128x256xf32>
        %div3A_685 = arith.divf %mul3A_677, %max3A_684 : vector<128x256xf32>
        %gt3A_686 = arith.constant 0.699999988 : f32
        %gt3A_687 = vector.broadcast %gt3A_686 : f32 to vector<128x256xf32>
        %gt3A_688 = arith.cmpf ogt, %div3A_685, %gt3A_687 : vector<128x256xf32>
        %convert_element_type3A_689 = arith.extui %gt3A_688 : vector<128x256xi1> to vector<128x256xi32>
        %convert_element_type3A_690 = arith.sitofp %convert_element_type3A_689 : vector<128x256xi32> to vector<128x256xf32>
        %convert_element_type3A_691 = arith.truncf %convert_element_type3A_690 : vector<128x256xf32> to vector<128x256xbf16>
        %dot_general3A_692 = arith.constant dense<0.000000e+00> : vector<1x256xf32>
        %dot_general3A_693 = tpu.matmul %convert_element_type3A_112, %convert_element_type3A_691, %dot_general3A_692 {dimension_numbers = #tpu.dot_dimension_numbers<[1], [0], [0], [1], [0, 0, 1, 1], [], []>, transpose_lhs_hint = false} : vector<1x128xbf16>, vector<128x256xbf16>, vector<1x256xf32> -> vector<1x256xf32>
        %le3A_694 = arith.constant 5.000000e-01 : f32
        %le3A_695 = vector.broadcast %le3A_694 : f32 to vector<1x256xf32>
        %le3A_696 = arith.cmpf ole, %dot_general3A_693, %le3A_695 : vector<1x256xf32>
        %convert_element_type3A_697 = arith.extui %le3A_696 : vector<1x256xi1> to vector<1x256xi32>
        %convert_element_type3A_698 = arith.sitofp %convert_element_type3A_697 : vector<1x256xi32> to vector<1x256xf32>
        %mul3A_699 = arith.constant 2 : i32
        %mul3A_700 = arith.muli %mul3A_699, %add3A_619 : i32
        %get3A_701 = arith.index_cast %mul3A_700 : i32 to index
        %get3A_702 = arith.constant 0 : index
        %get3A_703 = arith.constant 0 : index
        %get3A_704 = vector.load %arg14[%get3A_701, %get3A_702, %get3A_703] : memref<40x1x128xf32, #tpu.memory_space<vmem>>, vector<1x1x128xf32>
        %get3A_705 = vector.shape_cast %get3A_704 : vector<1x1x128xf32> to vector<1x128xf32>
        %slice3A_706 = vector.extract_strided_slice %convert_element_type3A_698 {offsets = [0, 0], sizes = [1, 128], strides = [1, 1]} : vector<1x256xf32> to vector<1x128xf32>
        %mul3A_707 = arith.mulf %get3A_705, %slice3A_706 : vector<1x128xf32>
        %mul3A_708 = arith.constant 2 : i32
        %mul3A_709 = arith.muli %mul3A_708, %add3A_619 : i32
        %swap3A_710 = arith.index_cast %mul3A_709 : i32 to index
        %swap3A_711 = arith.constant 0 : index
        %swap3A_712 = arith.constant 0 : index
        %swap3A_713 = vector.load %arg14[%swap3A_710, %swap3A_711, %swap3A_712] : memref<40x1x128xf32, #tpu.memory_space<vmem>>, vector<1x1x128xf32>
        %swap3A_714 = vector.shape_cast %swap3A_713 : vector<1x1x128xf32> to vector<1x128xf32>
        %swap3A_715 = vector.shape_cast %mul3A_707 : vector<1x128xf32> to vector<1x1x128xf32>
        tpu.vector_store %arg14[%swap3A_710, %swap3A_711, %swap3A_712], %swap3A_715 {strides = array<i32>} : memref<40x1x128xf32, #tpu.memory_space<vmem>>, vector<1x1x128xf32>,
        %mul3A_716 = arith.constant 2 : i32
        %mul3A_717 = arith.muli %mul3A_716, %add3A_619 : i32
        %add3A_718 = arith.constant 1 : i32
        %add3A_719 = arith.addi %mul3A_717, %add3A_718 : i32
        %get3A_720 = arith.index_cast %add3A_719 : i32 to index
        %get3A_721 = arith.constant 0 : index
        %get3A_722 = arith.constant 0 : index
        %get3A_723 = vector.load %arg14[%get3A_720, %get3A_721, %get3A_722] : memref<40x1x128xf32, #tpu.memory_space<vmem>>, vector<1x1x128xf32>
        %get3A_724 = vector.shape_cast %get3A_723 : vector<1x1x128xf32> to vector<1x128xf32>
        %slice3A_725 = vector.extract_strided_slice %convert_element_type3A_698 {offsets = [0, 128], sizes = [1, 128], strides = [1, 1]} : vector<1x256xf32> to vector<1x128xf32>
        %mul3A_726 = arith.mulf %get3A_724, %slice3A_725 : vector<1x128xf32>
        %mul3A_727 = arith.constant 2 : i32
        %mul3A_728 = arith.muli %mul3A_727, %add3A_619 : i32
        %add3A_729 = arith.constant 1 : i32
        %add3A_730 = arith.addi %mul3A_728, %add3A_729 : i32
        %swap3A_731 = arith.index_cast %add3A_730 : i32 to index
        %swap3A_732 = arith.constant 0 : index
        %swap3A_733 = arith.constant 0 : index
        %swap3A_734 = vector.load %arg14[%swap3A_731, %swap3A_732, %swap3A_733] : memref<40x1x128xf32, #tpu.memory_space<vmem>>, vector<1x1x128xf32>
        %swap3A_735 = vector.shape_cast %swap3A_734 : vector<1x1x128xf32> to vector<1x128xf32>
        %swap3A_736 = vector.shape_cast %mul3A_726 : vector<1x128xf32> to vector<1x1x128xf32>
        tpu.vector_store %arg14[%swap3A_731, %swap3A_732, %swap3A_733], %swap3A_736 {strides = array<i32>} : memref<40x1x128xf32, #tpu.memory_space<vmem>>, vector<1x1x128xf32>,
        %add3A_737 = arith.constant 3 : i32
        %add3A_738 = arith.addi %add3A_381, %add3A_737 : i32
        %mul3A_739 = arith.constant 2 : i32
        %mul3A_740 = arith.muli %mul3A_739, %add3A_738 : i32
        %get3A_741 = arith.index_cast %mul3A_740 : i32 to index
        %get3A_742 = arith.constant 0 : index
        %get3A_743 = arith.constant 0 : index
        %get3A_744 = vector.load %arg15[%get3A_741, %get3A_742, %get3A_743] : memref<40x1x128xf32, #tpu.memory_space<vmem>>, vector<1x1x128xf32>
        %get3A_745 = vector.shape_cast %get3A_744 : vector<1x1x128xf32> to vector<1x128xf32>
        %mul3A_746 = arith.constant 2 : i32
        %mul3A_747 = arith.muli %mul3A_746, %add3A_738 : i32
        %add3A_748 = arith.constant 1 : i32
        %add3A_749 = arith.addi %mul3A_747, %add3A_748 : i32
        %get3A_750 = arith.index_cast %add3A_749 : i32 to index
        %get3A_751 = arith.constant 0 : index
        %get3A_752 = arith.constant 0 : index
        %get3A_753 = vector.load %arg15[%get3A_750, %get3A_751, %get3A_752] : memref<40x1x128xf32, #tpu.memory_space<vmem>>, vector<1x1x128xf32>
        %get3A_754 = vector.shape_cast %get3A_753 : vector<1x1x128xf32> to vector<1x128xf32>
        %concatenate3A_755 = tpu.concatenate %get3A_745, %get3A_754 in 1 : vector<1x128xf32>, vector<1x128xf32> -> vector<1x256xf32>
        %get3A_756 = arith.index_cast %add3A_738 : i32 to index
        %get3A_757 = arith.constant 0 : index
        %get3A_758 = arith.constant 0 : index
        %get3A_759 = vector.load %arg4[%get3A_756, %get3A_757, %get3A_758] : memref<20x1x256xf32, #tpu.memory_space<vmem>>, vector<1x1x256xf32>
        %get3A_760 = vector.shape_cast %get3A_759 : vector<1x1x256xf32> to vector<1x256xf32>
        %get3A_761 = arith.index_cast %add3A_738 : i32 to index
        %get3A_762 = arith.constant 0 : index
        %get3A_763 = arith.constant 0 : index
        %get3A_764 = vector.load %arg5[%get3A_761, %get3A_762, %get3A_763] : memref<20x1x256xf32, #tpu.memory_space<vmem>>, vector<1x1x256xf32>
        %get3A_765 = vector.shape_cast %get3A_764 : vector<1x1x256xf32> to vector<1x256xf32>
        %get3A_766 = arith.index_cast %add3A_738 : i32 to index
        %get3A_767 = arith.constant 0 : index
        %get3A_768 = arith.constant 0 : index
        %get3A_769 = vector.load %arg6[%get3A_766, %get3A_767, %get3A_768] : memref<20x1x256xf32, #tpu.memory_space<vmem>>, vector<1x1x256xf32>
        %get3A_770 = vector.shape_cast %get3A_769 : vector<1x1x256xf32> to vector<1x256xf32>
        %get3A_771 = arith.index_cast %add3A_738 : i32 to index
        %get3A_772 = arith.constant 0 : index
        %get3A_773 = arith.constant 0 : index
        %get3A_774 = vector.load %arg7[%get3A_771, %get3A_772, %get3A_773] : memref<20x1x256xf32, #tpu.memory_space<vmem>>, vector<1x1x256xf32>
        %get3A_775 = vector.shape_cast %get3A_774 : vector<1x1x256xf32> to vector<1x256xf32>
        %max3A_776 = vector.broadcast %get3A_18 : vector<128x1xf32> to vector<128x256xf32>
        %max3A_777 = vector.broadcast %get3A_760 : vector<1x256xf32> to vector<128x256xf32>
        %max3A_778 = arith.maximumf %max3A_776, %max3A_777 : vector<128x256xf32>
        %max3A_779 = vector.broadcast %get3A_23 : vector<128x1xf32> to vector<128x256xf32>
        %max3A_780 = vector.broadcast %get3A_765 : vector<1x256xf32> to vector<128x256xf32>
        %max3A_781 = arith.maximumf %max3A_779, %max3A_780 : vector<128x256xf32>
        %min3A_782 = vector.broadcast %get3A_28 : vector<128x1xf32> to vector<128x256xf32>
        %min3A_783 = vector.broadcast %get3A_770 : vector<1x256xf32> to vector<128x256xf32>
        %min3A_784 = arith.minimumf %min3A_782, %min3A_783 : vector<128x256xf32>
        %min3A_785 = vector.broadcast %get3A_33 : vector<128x1xf32> to vector<128x256xf32>
        %min3A_786 = vector.broadcast %get3A_775 : vector<1x256xf32> to vector<128x256xf32>
        %min3A_787 = arith.minimumf %min3A_785, %min3A_786 : vector<128x256xf32>
        %sub3A_788 = arith.subf %min3A_784, %max3A_778 : vector<128x256xf32>
        %max3A_789 = arith.constant 0.000000e+00 : f32
        %max3A_790 = vector.broadcast %max3A_789 : f32 to vector<128x256xf32>
        %max3A_791 = arith.maximumf %sub3A_788, %max3A_790 : vector<128x256xf32>
        %sub3A_792 = arith.subf %min3A_787, %max3A_781 : vector<128x256xf32>
        %max3A_793 = arith.constant 0.000000e+00 : f32
        %max3A_794 = vector.broadcast %max3A_793 : f32 to vector<128x256xf32>
        %max3A_795 = arith.maximumf %sub3A_792, %max3A_794 : vector<128x256xf32>
        %mul3A_796 = arith.mulf %max3A_791, %max3A_795 : vector<128x256xf32>
        %add3A_797 = vector.broadcast %mul3A : vector<128x1xf32> to vector<128x256xf32>
        %add3A_798 = vector.broadcast %concatenate3A_755 : vector<1x256xf32> to vector<128x256xf32>
        %add3A_799 = arith.addf %add3A_797, %add3A_798 : vector<128x256xf32>
        %sub3A_800 = arith.subf %add3A_799, %mul3A_796 : vector<128x256xf32>
        %max3A_801 = arith.constant 9.99999993E-9 : f32
        %max3A_802 = vector.broadcast %max3A_801 : f32 to vector<128x256xf32>
        %max3A_803 = arith.maximumf %sub3A_800, %max3A_802 : vector<128x256xf32>
        %div3A_804 = arith.divf %mul3A_796, %max3A_803 : vector<128x256xf32>
        %gt3A_805 = arith.constant 0.699999988 : f32
        %gt3A_806 = vector.broadcast %gt3A_805 : f32 to vector<128x256xf32>
        %gt3A_807 = arith.cmpf ogt, %div3A_804, %gt3A_806 : vector<128x256xf32>
        %convert_element_type3A_808 = arith.extui %gt3A_807 : vector<128x256xi1> to vector<128x256xi32>
        %convert_element_type3A_809 = arith.sitofp %convert_element_type3A_808 : vector<128x256xi32> to vector<128x256xf32>
        %convert_element_type3A_810 = arith.truncf %convert_element_type3A_809 : vector<128x256xf32> to vector<128x256xbf16>
        %dot_general3A_811 = arith.constant dense<0.000000e+00> : vector<1x256xf32>
        %dot_general3A_812 = tpu.matmul %convert_element_type3A_112, %convert_element_type3A_810, %dot_general3A_811 {dimension_numbers = #tpu.dot_dimension_numbers<[1], [0], [0], [1], [0, 0, 1, 1], [], []>, transpose_lhs_hint = false} : vector<1x128xbf16>, vector<128x256xbf16>, vector<1x256xf32> -> vector<1x256xf32>
        %le3A_813 = arith.constant 5.000000e-01 : f32
        %le3A_814 = vector.broadcast %le3A_813 : f32 to vector<1x256xf32>
        %le3A_815 = arith.cmpf ole, %dot_general3A_812, %le3A_814 : vector<1x256xf32>
        %convert_element_type3A_816 = arith.extui %le3A_815 : vector<1x256xi1> to vector<1x256xi32>
        %convert_element_type3A_817 = arith.sitofp %convert_element_type3A_816 : vector<1x256xi32> to vector<1x256xf32>
        %mul3A_818 = arith.constant 2 : i32
        %mul3A_819 = arith.muli %mul3A_818, %add3A_738 : i32
        %get3A_820 = arith.index_cast %mul3A_819 : i32 to index
        %get3A_821 = arith.constant 0 : index
        %get3A_822 = arith.constant 0 : index
        %get3A_823 = vector.load %arg14[%get3A_820, %get3A_821, %get3A_822] : memref<40x1x128xf32, #tpu.memory_space<vmem>>, vector<1x1x128xf32>
        %get3A_824 = vector.shape_cast %get3A_823 : vector<1x1x128xf32> to vector<1x128xf32>
        %slice3A_825 = vector.extract_strided_slice %convert_element_type3A_817 {offsets = [0, 0], sizes = [1, 128], strides = [1, 1]} : vector<1x256xf32> to vector<1x128xf32>
        %mul3A_826 = arith.mulf %get3A_824, %slice3A_825 : vector<1x128xf32>
        %mul3A_827 = arith.constant 2 : i32
        %mul3A_828 = arith.muli %mul3A_827, %add3A_738 : i32
        %swap3A_829 = arith.index_cast %mul3A_828 : i32 to index
        %swap3A_830 = arith.constant 0 : index
        %swap3A_831 = arith.constant 0 : index
        %swap3A_832 = vector.load %arg14[%swap3A_829, %swap3A_830, %swap3A_831] : memref<40x1x128xf32, #tpu.memory_space<vmem>>, vector<1x1x128xf32>
        %swap3A_833 = vector.shape_cast %swap3A_832 : vector<1x1x128xf32> to vector<1x128xf32>
        %swap3A_834 = vector.shape_cast %mul3A_826 : vector<1x128xf32> to vector<1x1x128xf32>
        tpu.vector_store %arg14[%swap3A_829, %swap3A_830, %swap3A_831], %swap3A_834 {strides = array<i32>} : memref<40x1x128xf32, #tpu.memory_space<vmem>>, vector<1x1x128xf32>,
        %mul3A_835 = arith.constant 2 : i32
        %mul3A_836 = arith.muli %mul3A_835, %add3A_738 : i32
        %add3A_837 = arith.constant 1 : i32
        %add3A_838 = arith.addi %mul3A_836, %add3A_837 : i32
        %get3A_839 = arith.index_cast %add3A_838 : i32 to index
        %get3A_840 = arith.constant 0 : index
        %get3A_841 = arith.constant 0 : index
        %get3A_842 = vector.load %arg14[%get3A_839, %get3A_840, %get3A_841] : memref<40x1x128xf32, #tpu.memory_space<vmem>>, vector<1x1x128xf32>
        %get3A_843 = vector.shape_cast %get3A_842 : vector<1x1x128xf32> to vector<1x128xf32>
        %slice3A_844 = vector.extract_strided_slice %convert_element_type3A_817 {offsets = [0, 128], sizes = [1, 128], strides = [1, 1]} : vector<1x256xf32> to vector<1x128xf32>
        %mul3A_845 = arith.mulf %get3A_843, %slice3A_844 : vector<1x128xf32>
        %mul3A_846 = arith.constant 2 : i32
        %mul3A_847 = arith.muli %mul3A_846, %add3A_738 : i32
        %add3A_848 = arith.constant 1 : i32
        %add3A_849 = arith.addi %mul3A_847, %add3A_848 : i32
        %swap3A_850 = arith.index_cast %add3A_849 : i32 to index
        %swap3A_851 = arith.constant 0 : index
        %swap3A_852 = arith.constant 0 : index
        %swap3A_853 = vector.load %arg14[%swap3A_850, %swap3A_851, %swap3A_852] : memref<40x1x128xf32, #tpu.memory_space<vmem>>, vector<1x1x128xf32>
        %swap3A_854 = vector.shape_cast %swap3A_853 : vector<1x1x128xf32> to vector<1x128xf32>
        %swap3A_855 = vector.shape_cast %mul3A_845 : vector<1x128xf32> to vector<1x1x128xf32>
        tpu.vector_store %arg14[%swap3A_850, %swap3A_851, %swap3A_852], %swap3A_855 {strides = array<i32>} : memref<40x1x128xf32, #tpu.memory_space<vmem>>, vector<1x1x128xf32>,
      }
      %while3A_315 = arith.constant 1 : i32
      scf.for %while3A_378 = %while3A_313 to %while3A_309 step %while3A_315  : i32 {
        %mul3A_379 = arith.constant 4 : i32
        %mul3A_380 = arith.muli %mul3A_379, %while3A_378 : i32
        %add3A_381 = arith.addi %add3A_279, %mul3A_380 : i32
        %mul3A_382 = arith.constant 2 : i32
        %mul3A_383 = arith.muli %mul3A_382, %add3A_381 : i32
        %get3A_384 = arith.index_cast %mul3A_383 : i32 to index
        %get3A_385 = arith.constant 0 : index
        %get3A_386 = arith.constant 0 : index
        %get3A_387 = vector.load %arg15[%get3A_384, %get3A_385, %get3A_386] : memref<40x1x128xf32, #tpu.memory_space<vmem>>, vector<1x1x128xf32>
        %get3A_388 = vector.shape_cast %get3A_387 : vector<1x1x128xf32> to vector<1x128xf32>
        %mul3A_389 = arith.constant 2 : i32
        %mul3A_390 = arith.muli %mul3A_389, %add3A_381 : i32
        %add3A_391 = arith.constant 1 : i32
        %add3A_392 = arith.addi %mul3A_390, %add3A_391 : i32
        %get3A_393 = arith.index_cast %add3A_392 : i32 to index
        %get3A_394 = arith.constant 0 : index
        %get3A_395 = arith.constant 0 : index
        %get3A_396 = vector.load %arg15[%get3A_393, %get3A_394, %get3A_395] : memref<40x1x128xf32, #tpu.memory_space<vmem>>, vector<1x1x128xf32>
        %get3A_397 = vector.shape_cast %get3A_396 : vector<1x1x128xf32> to vector<1x128xf32>
        %concatenate3A_398 = tpu.concatenate %get3A_388, %get3A_397 in 1 : vector<1x128xf32>, vector<1x128xf32> -> vector<1x256xf32>
        %get3A_399 = arith.index_cast %add3A_381 : i32 to index
        %get3A_400 = arith.constant 0 : index
        %get3A_401 = arith.constant 0 : index
        %get3A_402 = vector.load %arg4[%get3A_399, %get3A_400, %get3A_401] : memref<20x1x256xf32, #tpu.memory_space<vmem>>, vector<1x1x256xf32>
        %get3A_403 = vector.shape_cast %get3A_402 : vector<1x1x256xf32> to vector<1x256xf32>
        %get3A_404 = arith.index_cast %add3A_381 : i32 to index
        %get3A_405 = arith.constant 0 : index
        %get3A_406 = arith.constant 0 : index
        %get3A_407 = vector.load %arg5[%get3A_404, %get3A_405, %get3A_406] : memref<20x1x256xf32, #tpu.memory_space<vmem>>, vector<1x1x256xf32>
        %get3A_408 = vector.shape_cast %get3A_407 : vector<1x1x256xf32> to vector<1x256xf32>
        %get3A_409 = arith.index_cast %add3A_381 : i32 to index
        %get3A_410 = arith.constant 0 : index
        %get3A_411 = arith.constant 0 : index
        %get3A_412 = vector.load %arg6[%get3A_409, %get3A_410, %get3A_411] : memref<20x1x256xf32, #tpu.memory_space<vmem>>, vector<1x1x256xf32>
        %get3A_413 = vector.shape_cast %get3A_412 : vector<1x1x256xf32> to vector<1x256xf32>
        %get3A_414 = arith.index_cast %add3A_381 : i32 to index
        %get3A_415 = arith.constant 0 : index
        %get3A_416 = arith.constant 0 : index
        %get3A_417 = vector.load %arg7[%get3A_414, %get3A_415, %get3A_416] : memref<20x1x256xf32, #tpu.memory_space<vmem>>, vector<1x1x256xf32>
        %get3A_418 = vector.shape_cast %get3A_417 : vector<1x1x256xf32> to vector<1x256xf32>
        %max3A_419 = vector.broadcast %get3A_18 : vector<128x1xf32> to vector<128x256xf32>
        %max3A_420 = vector.broadcast %get3A_403 : vector<1x256xf32> to vector<128x256xf32>
        %max3A_421 = arith.maximumf %max3A_419, %max3A_420 : vector<128x256xf32>
        %max3A_422 = vector.broadcast %get3A_23 : vector<128x1xf32> to vector<128x256xf32>
        %max3A_423 = vector.broadcast %get3A_408 : vector<1x256xf32> to vector<128x256xf32>
        %max3A_424 = arith.maximumf %max3A_422, %max3A_423 : vector<128x256xf32>
        %min3A_425 = vector.broadcast %get3A_28 : vector<128x1xf32> to vector<128x256xf32>
        %min3A_426 = vector.broadcast %get3A_413 : vector<1x256xf32> to vector<128x256xf32>
        %min3A_427 = arith.minimumf %min3A_425, %min3A_426 : vector<128x256xf32>
        %min3A_428 = vector.broadcast %get3A_33 : vector<128x1xf32> to vector<128x256xf32>
        %min3A_429 = vector.broadcast %get3A_418 : vector<1x256xf32> to vector<128x256xf32>
        %min3A_430 = arith.minimumf %min3A_428, %min3A_429 : vector<128x256xf32>
        %sub3A_431 = arith.subf %min3A_427, %max3A_421 : vector<128x256xf32>
        %max3A_432 = arith.constant 0.000000e+00 : f32
        %max3A_433 = vector.broadcast %max3A_432 : f32 to vector<128x256xf32>
        %max3A_434 = arith.maximumf %sub3A_431, %max3A_433 : vector<128x256xf32>
        %sub3A_435 = arith.subf %min3A_430, %max3A_424 : vector<128x256xf32>
        %max3A_436 = arith.constant 0.000000e+00 : f32
        %max3A_437 = vector.broadcast %max3A_436 : f32 to vector<128x256xf32>
        %max3A_438 = arith.maximumf %sub3A_435, %max3A_437 : vector<128x256xf32>
        %mul3A_439 = arith.mulf %max3A_434, %max3A_438 : vector<128x256xf32>
        %add3A_440 = vector.broadcast %mul3A : vector<128x1xf32> to vector<128x256xf32>
        %add3A_441 = vector.broadcast %concatenate3A_398 : vector<1x256xf32> to vector<128x256xf32>
        %add3A_442 = arith.addf %add3A_440, %add3A_441 : vector<128x256xf32>
        %sub3A_443 = arith.subf %add3A_442, %mul3A_439 : vector<128x256xf32>
        %max3A_444 = arith.constant 9.99999993E-9 : f32
        %max3A_445 = vector.broadcast %max3A_444 : f32 to vector<128x256xf32>
        %max3A_446 = arith.maximumf %sub3A_443, %max3A_445 : vector<128x256xf32>
        %div3A_447 = arith.divf %mul3A_439, %max3A_446 : vector<128x256xf32>
        %gt3A_448 = arith.constant 0.699999988 : f32
        %gt3A_449 = vector.broadcast %gt3A_448 : f32 to vector<128x256xf32>
        %gt3A_450 = arith.cmpf ogt, %div3A_447, %gt3A_449 : vector<128x256xf32>
        %convert_element_type3A_451 = arith.extui %gt3A_450 : vector<128x256xi1> to vector<128x256xi32>
        %convert_element_type3A_452 = arith.sitofp %convert_element_type3A_451 : vector<128x256xi32> to vector<128x256xf32>
        %convert_element_type3A_453 = arith.truncf %convert_element_type3A_452 : vector<128x256xf32> to vector<128x256xbf16>
        %dot_general3A_454 = arith.constant dense<0.000000e+00> : vector<1x256xf32>
        %dot_general3A_455 = tpu.matmul %convert_element_type3A_112, %convert_element_type3A_453, %dot_general3A_454 {dimension_numbers = #tpu.dot_dimension_numbers<[1], [0], [0], [1], [0, 0, 1, 1], [], []>, transpose_lhs_hint = false} : vector<1x128xbf16>, vector<128x256xbf16>, vector<1x256xf32> -> vector<1x256xf32>
        %le3A_456 = arith.constant 5.000000e-01 : f32
        %le3A_457 = vector.broadcast %le3A_456 : f32 to vector<1x256xf32>
        %le3A_458 = arith.cmpf ole, %dot_general3A_455, %le3A_457 : vector<1x256xf32>
        %convert_element_type3A_459 = arith.extui %le3A_458 : vector<1x256xi1> to vector<1x256xi32>
        %convert_element_type3A_460 = arith.sitofp %convert_element_type3A_459 : vector<1x256xi32> to vector<1x256xf32>
        %mul3A_461 = arith.constant 2 : i32
        %mul3A_462 = arith.muli %mul3A_461, %add3A_381 : i32
        %get3A_463 = arith.index_cast %mul3A_462 : i32 to index
        %get3A_464 = arith.constant 0 : index
        %get3A_465 = arith.constant 0 : index
        %get3A_466 = vector.load %arg14[%get3A_463, %get3A_464, %get3A_465] : memref<40x1x128xf32, #tpu.memory_space<vmem>>, vector<1x1x128xf32>
        %get3A_467 = vector.shape_cast %get3A_466 : vector<1x1x128xf32> to vector<1x128xf32>
        %slice3A_468 = vector.extract_strided_slice %convert_element_type3A_460 {offsets = [0, 0], sizes = [1, 128], strides = [1, 1]} : vector<1x256xf32> to vector<1x128xf32>
        %mul3A_469 = arith.mulf %get3A_467, %slice3A_468 : vector<1x128xf32>
        %mul3A_470 = arith.constant 2 : i32
        %mul3A_471 = arith.muli %mul3A_470, %add3A_381 : i32
        %swap3A_472 = arith.index_cast %mul3A_471 : i32 to index
        %swap3A_473 = arith.constant 0 : index
        %swap3A_474 = arith.constant 0 : index
        %swap3A_475 = vector.load %arg14[%swap3A_472, %swap3A_473, %swap3A_474] : memref<40x1x128xf32, #tpu.memory_space<vmem>>, vector<1x1x128xf32>
        %swap3A_476 = vector.shape_cast %swap3A_475 : vector<1x1x128xf32> to vector<1x128xf32>
        %swap3A_477 = vector.shape_cast %mul3A_469 : vector<1x128xf32> to vector<1x1x128xf32>
        tpu.vector_store %arg14[%swap3A_472, %swap3A_473, %swap3A_474], %swap3A_477 {strides = array<i32>} : memref<40x1x128xf32, #tpu.memory_space<vmem>>, vector<1x1x128xf32>,
        %mul3A_478 = arith.constant 2 : i32
        %mul3A_479 = arith.muli %mul3A_478, %add3A_381 : i32
        %add3A_480 = arith.constant 1 : i32
        %add3A_481 = arith.addi %mul3A_479, %add3A_480 : i32
        %get3A_482 = arith.index_cast %add3A_481 : i32 to index
        %get3A_483 = arith.constant 0 : index
        %get3A_484 = arith.constant 0 : index
        %get3A_485 = vector.load %arg14[%get3A_482, %get3A_483, %get3A_484] : memref<40x1x128xf32, #tpu.memory_space<vmem>>, vector<1x1x128xf32>
        %get3A_486 = vector.shape_cast %get3A_485 : vector<1x1x128xf32> to vector<1x128xf32>
        %slice3A_487 = vector.extract_strided_slice %convert_element_type3A_460 {offsets = [0, 128], sizes = [1, 128], strides = [1, 1]} : vector<1x256xf32> to vector<1x128xf32>
        %mul3A_488 = arith.mulf %get3A_486, %slice3A_487 : vector<1x128xf32>
        %mul3A_489 = arith.constant 2 : i32
        %mul3A_490 = arith.muli %mul3A_489, %add3A_381 : i32
        %add3A_491 = arith.constant 1 : i32
        %add3A_492 = arith.addi %mul3A_490, %add3A_491 : i32
        %swap3A_493 = arith.index_cast %add3A_492 : i32 to index
        %swap3A_494 = arith.constant 0 : index
        %swap3A_495 = arith.constant 0 : index
        %swap3A_496 = vector.load %arg14[%swap3A_493, %swap3A_494, %swap3A_495] : memref<40x1x128xf32, #tpu.memory_space<vmem>>, vector<1x1x128xf32>
        %swap3A_497 = vector.shape_cast %swap3A_496 : vector<1x1x128xf32> to vector<1x128xf32>
        %swap3A_498 = vector.shape_cast %mul3A_488 : vector<1x128xf32> to vector<1x1x128xf32>
        tpu.vector_store %arg14[%swap3A_493, %swap3A_494, %swap3A_495], %swap3A_498 {strides = array<i32>} : memref<40x1x128xf32, #tpu.memory_space<vmem>>, vector<1x1x128xf32>,
        %add3A_499 = arith.constant 1 : i32
        %add3A_500 = arith.addi %add3A_381, %add3A_499 : i32
        %mul3A_501 = arith.constant 2 : i32
        %mul3A_502 = arith.muli %mul3A_501, %add3A_500 : i32
        %get3A_503 = arith.index_cast %mul3A_502 : i32 to index
        %get3A_504 = arith.constant 0 : index
        %get3A_505 = arith.constant 0 : index
        %get3A_506 = vector.load %arg15[%get3A_503, %get3A_504, %get3A_505] : memref<40x1x128xf32, #tpu.memory_space<vmem>>, vector<1x1x128xf32>
        %get3A_507 = vector.shape_cast %get3A_506 : vector<1x1x128xf32> to vector<1x128xf32>
        %mul3A_508 = arith.constant 2 : i32
        %mul3A_509 = arith.muli %mul3A_508, %add3A_500 : i32
        %add3A_510 = arith.constant 1 : i32
        %add3A_511 = arith.addi %mul3A_509, %add3A_510 : i32
        %get3A_512 = arith.index_cast %add3A_511 : i32 to index
        %get3A_513 = arith.constant 0 : index
        %get3A_514 = arith.constant 0 : index
        %get3A_515 = vector.load %arg15[%get3A_512, %get3A_513, %get3A_514] : memref<40x1x128xf32, #tpu.memory_space<vmem>>, vector<1x1x128xf32>
        %get3A_516 = vector.shape_cast %get3A_515 : vector<1x1x128xf32> to vector<1x128xf32>
        %concatenate3A_517 = tpu.concatenate %get3A_507, %get3A_516 in 1 : vector<1x128xf32>, vector<1x128xf32> -> vector<1x256xf32>
        %get3A_518 = arith.index_cast %add3A_500 : i32 to index
        %get3A_519 = arith.constant 0 : index
        %get3A_520 = arith.constant 0 : index
        %get3A_521 = vector.load %arg4[%get3A_518, %get3A_519, %get3A_520] : memref<20x1x256xf32, #tpu.memory_space<vmem>>, vector<1x1x256xf32>
        %get3A_522 = vector.shape_cast %get3A_521 : vector<1x1x256xf32> to vector<1x256xf32>
        %get3A_523 = arith.index_cast %add3A_500 : i32 to index
        %get3A_524 = arith.constant 0 : index
        %get3A_525 = arith.constant 0 : index
        %get3A_526 = vector.load %arg5[%get3A_523, %get3A_524, %get3A_525] : memref<20x1x256xf32, #tpu.memory_space<vmem>>, vector<1x1x256xf32>
        %get3A_527 = vector.shape_cast %get3A_526 : vector<1x1x256xf32> to vector<1x256xf32>
        %get3A_528 = arith.index_cast %add3A_500 : i32 to index
        %get3A_529 = arith.constant 0 : index
        %get3A_530 = arith.constant 0 : index
        %get3A_531 = vector.load %arg6[%get3A_528, %get3A_529, %get3A_530] : memref<20x1x256xf32, #tpu.memory_space<vmem>>, vector<1x1x256xf32>
        %get3A_532 = vector.shape_cast %get3A_531 : vector<1x1x256xf32> to vector<1x256xf32>
        %get3A_533 = arith.index_cast %add3A_500 : i32 to index
        %get3A_534 = arith.constant 0 : index
        %get3A_535 = arith.constant 0 : index
        %get3A_536 = vector.load %arg7[%get3A_533, %get3A_534, %get3A_535] : memref<20x1x256xf32, #tpu.memory_space<vmem>>, vector<1x1x256xf32>
        %get3A_537 = vector.shape_cast %get3A_536 : vector<1x1x256xf32> to vector<1x256xf32>
        %max3A_538 = vector.broadcast %get3A_18 : vector<128x1xf32> to vector<128x256xf32>
        %max3A_539 = vector.broadcast %get3A_522 : vector<1x256xf32> to vector<128x256xf32>
        %max3A_540 = arith.maximumf %max3A_538, %max3A_539 : vector<128x256xf32>
        %max3A_541 = vector.broadcast %get3A_23 : vector<128x1xf32> to vector<128x256xf32>
        %max3A_542 = vector.broadcast %get3A_527 : vector<1x256xf32> to vector<128x256xf32>
        %max3A_543 = arith.maximumf %max3A_541, %max3A_542 : vector<128x256xf32>
        %min3A_544 = vector.broadcast %get3A_28 : vector<128x1xf32> to vector<128x256xf32>
        %min3A_545 = vector.broadcast %get3A_532 : vector<1x256xf32> to vector<128x256xf32>
        %min3A_546 = arith.minimumf %min3A_544, %min3A_545 : vector<128x256xf32>
        %min3A_547 = vector.broadcast %get3A_33 : vector<128x1xf32> to vector<128x256xf32>
        %min3A_548 = vector.broadcast %get3A_537 : vector<1x256xf32> to vector<128x256xf32>
        %min3A_549 = arith.minimumf %min3A_547, %min3A_548 : vector<128x256xf32>
        %sub3A_550 = arith.subf %min3A_546, %max3A_540 : vector<128x256xf32>
        %max3A_551 = arith.constant 0.000000e+00 : f32
        %max3A_552 = vector.broadcast %max3A_551 : f32 to vector<128x256xf32>
        %max3A_553 = arith.maximumf %sub3A_550, %max3A_552 : vector<128x256xf32>
        %sub3A_554 = arith.subf %min3A_549, %max3A_543 : vector<128x256xf32>
        %max3A_555 = arith.constant 0.000000e+00 : f32
        %max3A_556 = vector.broadcast %max3A_555 : f32 to vector<128x256xf32>
        %max3A_557 = arith.maximumf %sub3A_554, %max3A_556 : vector<128x256xf32>
        %mul3A_558 = arith.mulf %max3A_553, %max3A_557 : vector<128x256xf32>
        %add3A_559 = vector.broadcast %mul3A : vector<128x1xf32> to vector<128x256xf32>
        %add3A_560 = vector.broadcast %concatenate3A_517 : vector<1x256xf32> to vector<128x256xf32>
        %add3A_561 = arith.addf %add3A_559, %add3A_560 : vector<128x256xf32>
        %sub3A_562 = arith.subf %add3A_561, %mul3A_558 : vector<128x256xf32>
        %max3A_563 = arith.constant 9.99999993E-9 : f32
        %max3A_564 = vector.broadcast %max3A_563 : f32 to vector<128x256xf32>
        %max3A_565 = arith.maximumf %sub3A_562, %max3A_564 : vector<128x256xf32>
        %div3A_566 = arith.divf %mul3A_558, %max3A_565 : vector<128x256xf32>
        %gt3A_567 = arith.constant 0.699999988 : f32
        %gt3A_568 = vector.broadcast %gt3A_567 : f32 to vector<128x256xf32>
        %gt3A_569 = arith.cmpf ogt, %div3A_566, %gt3A_568 : vector<128x256xf32>
        %convert_element_type3A_570 = arith.extui %gt3A_569 : vector<128x256xi1> to vector<128x256xi32>
        %convert_element_type3A_571 = arith.sitofp %convert_element_type3A_570 : vector<128x256xi32> to vector<128x256xf32>
        %convert_element_type3A_572 = arith.truncf %convert_element_type3A_571 : vector<128x256xf32> to vector<128x256xbf16>
        %dot_general3A_573 = arith.constant dense<0.000000e+00> : vector<1x256xf32>
        %dot_general3A_574 = tpu.matmul %convert_element_type3A_112, %convert_element_type3A_572, %dot_general3A_573 {dimension_numbers = #tpu.dot_dimension_numbers<[1], [0], [0], [1], [0, 0, 1, 1], [], []>, transpose_lhs_hint = false} : vector<1x128xbf16>, vector<128x256xbf16>, vector<1x256xf32> -> vector<1x256xf32>
        %le3A_575 = arith.constant 5.000000e-01 : f32
        %le3A_576 = vector.broadcast %le3A_575 : f32 to vector<1x256xf32>
        %le3A_577 = arith.cmpf ole, %dot_general3A_574, %le3A_576 : vector<1x256xf32>
        %convert_element_type3A_578 = arith.extui %le3A_577 : vector<1x256xi1> to vector<1x256xi32>
        %convert_element_type3A_579 = arith.sitofp %convert_element_type3A_578 : vector<1x256xi32> to vector<1x256xf32>
        %mul3A_580 = arith.constant 2 : i32
        %mul3A_581 = arith.muli %mul3A_580, %add3A_500 : i32
        %get3A_582 = arith.index_cast %mul3A_581 : i32 to index
        %get3A_583 = arith.constant 0 : index
        %get3A_584 = arith.constant 0 : index
        %get3A_585 = vector.load %arg14[%get3A_582, %get3A_583, %get3A_584] : memref<40x1x128xf32, #tpu.memory_space<vmem>>, vector<1x1x128xf32>
        %get3A_586 = vector.shape_cast %get3A_585 : vector<1x1x128xf32> to vector<1x128xf32>
        %slice3A_587 = vector.extract_strided_slice %convert_element_type3A_579 {offsets = [0, 0], sizes = [1, 128], strides = [1, 1]} : vector<1x256xf32> to vector<1x128xf32>
        %mul3A_588 = arith.mulf %get3A_586, %slice3A_587 : vector<1x128xf32>
        %mul3A_589 = arith.constant 2 : i32
        %mul3A_590 = arith.muli %mul3A_589, %add3A_500 : i32
        %swap3A_591 = arith.index_cast %mul3A_590 : i32 to index
        %swap3A_592 = arith.constant 0 : index
        %swap3A_593 = arith.constant 0 : index
        %swap3A_594 = vector.load %arg14[%swap3A_591, %swap3A_592, %swap3A_593] : memref<40x1x128xf32, #tpu.memory_space<vmem>>, vector<1x1x128xf32>
        %swap3A_595 = vector.shape_cast %swap3A_594 : vector<1x1x128xf32> to vector<1x128xf32>
        %swap3A_596 = vector.shape_cast %mul3A_588 : vector<1x128xf32> to vector<1x1x128xf32>
        tpu.vector_store %arg14[%swap3A_591, %swap3A_592, %swap3A_593], %swap3A_596 {strides = array<i32>} : memref<40x1x128xf32, #tpu.memory_space<vmem>>, vector<1x1x128xf32>,
        %mul3A_597 = arith.constant 2 : i32
        %mul3A_598 = arith.muli %mul3A_597, %add3A_500 : i32
        %add3A_599 = arith.constant 1 : i32
        %add3A_600 = arith.addi %mul3A_598, %add3A_599 : i32
        %get3A_601 = arith.index_cast %add3A_600 : i32 to index
        %get3A_602 = arith.constant 0 : index
        %get3A_603 = arith.constant 0 : index
        %get3A_604 = vector.load %arg14[%get3A_601, %get3A_602, %get3A_603] : memref<40x1x128xf32, #tpu.memory_space<vmem>>, vector<1x1x128xf32>
        %get3A_605 = vector.shape_cast %get3A_604 : vector<1x1x128xf32> to vector<1x128xf32>
        %slice3A_606 = vector.extract_strided_slice %convert_element_type3A_579 {offsets = [0, 128], sizes = [1, 128], strides = [1, 1]} : vector<1x256xf32> to vector<1x128xf32>
        %mul3A_607 = arith.mulf %get3A_605, %slice3A_606 : vector<1x128xf32>
        %mul3A_608 = arith.constant 2 : i32
        %mul3A_609 = arith.muli %mul3A_608, %add3A_500 : i32
        %add3A_610 = arith.constant 1 : i32
        %add3A_611 = arith.addi %mul3A_609, %add3A_610 : i32
        %swap3A_612 = arith.index_cast %add3A_611 : i32 to index
        %swap3A_613 = arith.constant 0 : index
        %swap3A_614 = arith.constant 0 : index
        %swap3A_615 = vector.load %arg14[%swap3A_612, %swap3A_613, %swap3A_614] : memref<40x1x128xf32, #tpu.memory_space<vmem>>, vector<1x1x128xf32>
        %swap3A_616 = vector.shape_cast %swap3A_615 : vector<1x1x128xf32> to vector<1x128xf32>
        %swap3A_617 = vector.shape_cast %mul3A_607 : vector<1x128xf32> to vector<1x1x128xf32>
        tpu.vector_store %arg14[%swap3A_612, %swap3A_613, %swap3A_614], %swap3A_617 {strides = array<i32>} : memref<40x1x128xf32, #tpu.memory_space<vmem>>, vector<1x1x128xf32>,
        %add3A_618 = arith.constant 2 : i32
        %add3A_619 = arith.addi %add3A_381, %add3A_618 : i32
        %mul3A_620 = arith.constant 2 : i32
        %mul3A_621 = arith.muli %mul3A_620, %add3A_619 : i32
        %get3A_622 = arith.index_cast %mul3A_621 : i32 to index
        %get3A_623 = arith.constant 0 : index
        %get3A_624 = arith.constant 0 : index
        %get3A_625 = vector.load %arg15[%get3A_622, %get3A_623, %get3A_624] : memref<40x1x128xf32, #tpu.memory_space<vmem>>, vector<1x1x128xf32>
        %get3A_626 = vector.shape_cast %get3A_625 : vector<1x1x128xf32> to vector<1x128xf32>
        %mul3A_627 = arith.constant 2 : i32
        %mul3A_628 = arith.muli %mul3A_627, %add3A_619 : i32
        %add3A_629 = arith.constant 1 : i32
        %add3A_630 = arith.addi %mul3A_628, %add3A_629 : i32
        %get3A_631 = arith.index_cast %add3A_630 : i32 to index
        %get3A_632 = arith.constant 0 : index
        %get3A_633 = arith.constant 0 : index
        %get3A_634 = vector.load %arg15[%get3A_631, %get3A_632, %get3A_633] : memref<40x1x128xf32, #tpu.memory_space<vmem>>, vector<1x1x128xf32>
        %get3A_635 = vector.shape_cast %get3A_634 : vector<1x1x128xf32> to vector<1x128xf32>
        %concatenate3A_636 = tpu.concatenate %get3A_626, %get3A_635 in 1 : vector<1x128xf32>, vector<1x128xf32> -> vector<1x256xf32>
        %get3A_637 = arith.index_cast %add3A_619 : i32 to index
        %get3A_638 = arith.constant 0 : index
        %get3A_639 = arith.constant 0 : index
        %get3A_640 = vector.load %arg4[%get3A_637, %get3A_638, %get3A_639] : memref<20x1x256xf32, #tpu.memory_space<vmem>>, vector<1x1x256xf32>
        %get3A_641 = vector.shape_cast %get3A_640 : vector<1x1x256xf32> to vector<1x256xf32>
        %get3A_642 = arith.index_cast %add3A_619 : i32 to index
        %get3A_643 = arith.constant 0 : index
        %get3A_644 = arith.constant 0 : index
        %get3A_645 = vector.load %arg5[%get3A_642, %get3A_643, %get3A_644] : memref<20x1x256xf32, #tpu.memory_space<vmem>>, vector<1x1x256xf32>
        %get3A_646 = vector.shape_cast %get3A_645 : vector<1x1x256xf32> to vector<1x256xf32>
        %get3A_647 = arith.index_cast %add3A_619 : i32 to index
        %get3A_648 = arith.constant 0 : index
        %get3A_649 = arith.constant 0 : index
        %get3A_650 = vector.load %arg6[%get3A_647, %get3A_648, %get3A_649] : memref<20x1x256xf32, #tpu.memory_space<vmem>>, vector<1x1x256xf32>
        %get3A_651 = vector.shape_cast %get3A_650 : vector<1x1x256xf32> to vector<1x256xf32>
        %get3A_652 = arith.index_cast %add3A_619 : i32 to index
        %get3A_653 = arith.constant 0 : index
        %get3A_654 = arith.constant 0 : index
        %get3A_655 = vector.load %arg7[%get3A_652, %get3A_653, %get3A_654] : memref<20x1x256xf32, #tpu.memory_space<vmem>>, vector<1x1x256xf32>
        %get3A_656 = vector.shape_cast %get3A_655 : vector<1x1x256xf32> to vector<1x256xf32>
        %max3A_657 = vector.broadcast %get3A_18 : vector<128x1xf32> to vector<128x256xf32>
        %max3A_658 = vector.broadcast %get3A_641 : vector<1x256xf32> to vector<128x256xf32>
        %max3A_659 = arith.maximumf %max3A_657, %max3A_658 : vector<128x256xf32>
        %max3A_660 = vector.broadcast %get3A_23 : vector<128x1xf32> to vector<128x256xf32>
        %max3A_661 = vector.broadcast %get3A_646 : vector<1x256xf32> to vector<128x256xf32>
        %max3A_662 = arith.maximumf %max3A_660, %max3A_661 : vector<128x256xf32>
        %min3A_663 = vector.broadcast %get3A_28 : vector<128x1xf32> to vector<128x256xf32>
        %min3A_664 = vector.broadcast %get3A_651 : vector<1x256xf32> to vector<128x256xf32>
        %min3A_665 = arith.minimumf %min3A_663, %min3A_664 : vector<128x256xf32>
        %min3A_666 = vector.broadcast %get3A_33 : vector<128x1xf32> to vector<128x256xf32>
        %min3A_667 = vector.broadcast %get3A_656 : vector<1x256xf32> to vector<128x256xf32>
        %min3A_668 = arith.minimumf %min3A_666, %min3A_667 : vector<128x256xf32>
        %sub3A_669 = arith.subf %min3A_665, %max3A_659 : vector<128x256xf32>
        %max3A_670 = arith.constant 0.000000e+00 : f32
        %max3A_671 = vector.broadcast %max3A_670 : f32 to vector<128x256xf32>
        %max3A_672 = arith.maximumf %sub3A_669, %max3A_671 : vector<128x256xf32>
        %sub3A_673 = arith.subf %min3A_668, %max3A_662 : vector<128x256xf32>
        %max3A_674 = arith.constant 0.000000e+00 : f32
        %max3A_675 = vector.broadcast %max3A_674 : f32 to vector<128x256xf32>
        %max3A_676 = arith.maximumf %sub3A_673, %max3A_675 : vector<128x256xf32>
        %mul3A_677 = arith.mulf %max3A_672, %max3A_676 : vector<128x256xf32>
        %add3A_678 = vector.broadcast %mul3A : vector<128x1xf32> to vector<128x256xf32>
        %add3A_679 = vector.broadcast %concatenate3A_636 : vector<1x256xf32> to vector<128x256xf32>
        %add3A_680 = arith.addf %add3A_678, %add3A_679 : vector<128x256xf32>
        %sub3A_681 = arith.subf %add3A_680, %mul3A_677 : vector<128x256xf32>
        %max3A_682 = arith.constant 9.99999993E-9 : f32
        %max3A_683 = vector.broadcast %max3A_682 : f32 to vector<128x256xf32>
        %max3A_684 = arith.maximumf %sub3A_681, %max3A_683 : vector<128x256xf32>
        %div3A_685 = arith.divf %mul3A_677, %max3A_684 : vector<128x256xf32>
        %gt3A_686 = arith.constant 0.699999988 : f32
        %gt3A_687 = vector.broadcast %gt3A_686 : f32 to vector<128x256xf32>
        %gt3A_688 = arith.cmpf ogt, %div3A_685, %gt3A_687 : vector<128x256xf32>
        %convert_element_type3A_689 = arith.extui %gt3A_688 : vector<128x256xi1> to vector<128x256xi32>
        %convert_element_type3A_690 = arith.sitofp %convert_element_type3A_689 : vector<128x256xi32> to vector<128x256xf32>
        %convert_element_type3A_691 = arith.truncf %convert_element_type3A_690 : vector<128x256xf32> to vector<128x256xbf16>
        %dot_general3A_692 = arith.constant dense<0.000000e+00> : vector<1x256xf32>
        %dot_general3A_693 = tpu.matmul %convert_element_type3A_112, %convert_element_type3A_691, %dot_general3A_692 {dimension_numbers = #tpu.dot_dimension_numbers<[1], [0], [0], [1], [0, 0, 1, 1], [], []>, transpose_lhs_hint = false} : vector<1x128xbf16>, vector<128x256xbf16>, vector<1x256xf32> -> vector<1x256xf32>
        %le3A_694 = arith.constant 5.000000e-01 : f32
        %le3A_695 = vector.broadcast %le3A_694 : f32 to vector<1x256xf32>
        %le3A_696 = arith.cmpf ole, %dot_general3A_693, %le3A_695 : vector<1x256xf32>
        %convert_element_type3A_697 = arith.extui %le3A_696 : vector<1x256xi1> to vector<1x256xi32>
        %convert_element_type3A_698 = arith.sitofp %convert_element_type3A_697 : vector<1x256xi32> to vector<1x256xf32>
        %mul3A_699 = arith.constant 2 : i32
        %mul3A_700 = arith.muli %mul3A_699, %add3A_619 : i32
        %get3A_701 = arith.index_cast %mul3A_700 : i32 to index
        %get3A_702 = arith.constant 0 : index
        %get3A_703 = arith.constant 0 : index
        %get3A_704 = vector.load %arg14[%get3A_701, %get3A_702, %get3A_703] : memref<40x1x128xf32, #tpu.memory_space<vmem>>, vector<1x1x128xf32>
        %get3A_705 = vector.shape_cast %get3A_704 : vector<1x1x128xf32> to vector<1x128xf32>
        %slice3A_706 = vector.extract_strided_slice %convert_element_type3A_698 {offsets = [0, 0], sizes = [1, 128], strides = [1, 1]} : vector<1x256xf32> to vector<1x128xf32>
        %mul3A_707 = arith.mulf %get3A_705, %slice3A_706 : vector<1x128xf32>
        %mul3A_708 = arith.constant 2 : i32
        %mul3A_709 = arith.muli %mul3A_708, %add3A_619 : i32
        %swap3A_710 = arith.index_cast %mul3A_709 : i32 to index
        %swap3A_711 = arith.constant 0 : index
        %swap3A_712 = arith.constant 0 : index
        %swap3A_713 = vector.load %arg14[%swap3A_710, %swap3A_711, %swap3A_712] : memref<40x1x128xf32, #tpu.memory_space<vmem>>, vector<1x1x128xf32>
        %swap3A_714 = vector.shape_cast %swap3A_713 : vector<1x1x128xf32> to vector<1x128xf32>
        %swap3A_715 = vector.shape_cast %mul3A_707 : vector<1x128xf32> to vector<1x1x128xf32>
        tpu.vector_store %arg14[%swap3A_710, %swap3A_711, %swap3A_712], %swap3A_715 {strides = array<i32>} : memref<40x1x128xf32, #tpu.memory_space<vmem>>, vector<1x1x128xf32>,
        %mul3A_716 = arith.constant 2 : i32
        %mul3A_717 = arith.muli %mul3A_716, %add3A_619 : i32
        %add3A_718 = arith.constant 1 : i32
        %add3A_719 = arith.addi %mul3A_717, %add3A_718 : i32
        %get3A_720 = arith.index_cast %add3A_719 : i32 to index
        %get3A_721 = arith.constant 0 : index
        %get3A_722 = arith.constant 0 : index
        %get3A_723 = vector.load %arg14[%get3A_720, %get3A_721, %get3A_722] : memref<40x1x128xf32, #tpu.memory_space<vmem>>, vector<1x1x128xf32>
        %get3A_724 = vector.shape_cast %get3A_723 : vector<1x1x128xf32> to vector<1x128xf32>
        %slice3A_725 = vector.extract_strided_slice %convert_element_type3A_698 {offsets = [0, 128], sizes = [1, 128], strides = [1, 1]} : vector<1x256xf32> to vector<1x128xf32>
        %mul3A_726 = arith.mulf %get3A_724, %slice3A_725 : vector<1x128xf32>
        %mul3A_727 = arith.constant 2 : i32
        %mul3A_728 = arith.muli %mul3A_727, %add3A_619 : i32
        %add3A_729 = arith.constant 1 : i32
        %add3A_730 = arith.addi %mul3A_728, %add3A_729 : i32
        %swap3A_731 = arith.index_cast %add3A_730 : i32 to index
        %swap3A_732 = arith.constant 0 : index
        %swap3A_733 = arith.constant 0 : index
        %swap3A_734 = vector.load %arg14[%swap3A_731, %swap3A_732, %swap3A_733] : memref<40x1x128xf32, #tpu.memory_space<vmem>>, vector<1x1x128xf32>
        %swap3A_735 = vector.shape_cast %swap3A_734 : vector<1x1x128xf32> to vector<1x128xf32>
        %swap3A_736 = vector.shape_cast %mul3A_726 : vector<1x128xf32> to vector<1x1x128xf32>
        tpu.vector_store %arg14[%swap3A_731, %swap3A_732, %swap3A_733], %swap3A_736 {strides = array<i32>} : memref<40x1x128xf32, #tpu.memory_space<vmem>>, vector<1x1x128xf32>,
        %add3A_737 = arith.constant 3 : i32
        %add3A_738 = arith.addi %add3A_381, %add3A_737 : i32
        %mul3A_739 = arith.constant 2 : i32
        %mul3A_740 = arith.muli %mul3A_739, %add3A_738 : i32
        %get3A_741 = arith.index_cast %mul3A_740 : i32 to index
        %get3A_742 = arith.constant 0 : index
        %get3A_743 = arith.constant 0 : index
        %get3A_744 = vector.load %arg15[%get3A_741, %get3A_742, %get3A_743] : memref<40x1x128xf32, #tpu.memory_space<vmem>>, vector<1x1x128xf32>
        %get3A_745 = vector.shape_cast %get3A_744 : vector<1x1x128xf32> to vector<1x128xf32>
        %mul3A_746 = arith.constant 2 : i32
        %mul3A_747 = arith.muli %mul3A_746, %add3A_738 : i32
        %add3A_748 = arith.constant 1 : i32
        %add3A_749 = arith.addi %mul3A_747, %add3A_748 : i32
        %get3A_750 = arith.index_cast %add3A_749 : i32 to index
        %get3A_751 = arith.constant 0 : index
        %get3A_752 = arith.constant 0 : index
        %get3A_753 = vector.load %arg15[%get3A_750, %get3A_751, %get3A_752] : memref<40x1x128xf32, #tpu.memory_space<vmem>>, vector<1x1x128xf32>
        %get3A_754 = vector.shape_cast %get3A_753 : vector<1x1x128xf32> to vector<1x128xf32>
        %concatenate3A_755 = tpu.concatenate %get3A_745, %get3A_754 in 1 : vector<1x128xf32>, vector<1x128xf32> -> vector<1x256xf32>
        %get3A_756 = arith.index_cast %add3A_738 : i32 to index
        %get3A_757 = arith.constant 0 : index
        %get3A_758 = arith.constant 0 : index
        %get3A_759 = vector.load %arg4[%get3A_756, %get3A_757, %get3A_758] : memref<20x1x256xf32, #tpu.memory_space<vmem>>, vector<1x1x256xf32>
        %get3A_760 = vector.shape_cast %get3A_759 : vector<1x1x256xf32> to vector<1x256xf32>
        %get3A_761 = arith.index_cast %add3A_738 : i32 to index
        %get3A_762 = arith.constant 0 : index
        %get3A_763 = arith.constant 0 : index
        %get3A_764 = vector.load %arg5[%get3A_761, %get3A_762, %get3A_763] : memref<20x1x256xf32, #tpu.memory_space<vmem>>, vector<1x1x256xf32>
        %get3A_765 = vector.shape_cast %get3A_764 : vector<1x1x256xf32> to vector<1x256xf32>
        %get3A_766 = arith.index_cast %add3A_738 : i32 to index
        %get3A_767 = arith.constant 0 : index
        %get3A_768 = arith.constant 0 : index
        %get3A_769 = vector.load %arg6[%get3A_766, %get3A_767, %get3A_768] : memref<20x1x256xf32, #tpu.memory_space<vmem>>, vector<1x1x256xf32>
        %get3A_770 = vector.shape_cast %get3A_769 : vector<1x1x256xf32> to vector<1x256xf32>
        %get3A_771 = arith.index_cast %add3A_738 : i32 to index
        %get3A_772 = arith.constant 0 : index
        %get3A_773 = arith.constant 0 : index
        %get3A_774 = vector.load %arg7[%get3A_771, %get3A_772, %get3A_773] : memref<20x1x256xf32, #tpu.memory_space<vmem>>, vector<1x1x256xf32>
        %get3A_775 = vector.shape_cast %get3A_774 : vector<1x1x256xf32> to vector<1x256xf32>
        %max3A_776 = vector.broadcast %get3A_18 : vector<128x1xf32> to vector<128x256xf32>
        %max3A_777 = vector.broadcast %get3A_760 : vector<1x256xf32> to vector<128x256xf32>
        %max3A_778 = arith.maximumf %max3A_776, %max3A_777 : vector<128x256xf32>
        %max3A_779 = vector.broadcast %get3A_23 : vector<128x1xf32> to vector<128x256xf32>
        %max3A_780 = vector.broadcast %get3A_765 : vector<1x256xf32> to vector<128x256xf32>
        %max3A_781 = arith.maximumf %max3A_779, %max3A_780 : vector<128x256xf32>
        %min3A_782 = vector.broadcast %get3A_28 : vector<128x1xf32> to vector<128x256xf32>
        %min3A_783 = vector.broadcast %get3A_770 : vector<1x256xf32> to vector<128x256xf32>
        %min3A_784 = arith.minimumf %min3A_782, %min3A_783 : vector<128x256xf32>
        %min3A_785 = vector.broadcast %get3A_33 : vector<128x1xf32> to vector<128x256xf32>
        %min3A_786 = vector.broadcast %get3A_775 : vector<1x256xf32> to vector<128x256xf32>
        %min3A_787 = arith.minimumf %min3A_785, %min3A_786 : vector<128x256xf32>
        %sub3A_788 = arith.subf %min3A_784, %max3A_778 : vector<128x256xf32>
        %max3A_789 = arith.constant 0.000000e+00 : f32
        %max3A_790 = vector.broadcast %max3A_789 : f32 to vector<128x256xf32>
        %max3A_791 = arith.maximumf %sub3A_788, %max3A_790 : vector<128x256xf32>
        %sub3A_792 = arith.subf %min3A_787, %max3A_781 : vector<128x256xf32>
        %max3A_793 = arith.constant 0.000000e+00 : f32
        %max3A_794 = vector.broadcast %max3A_793 : f32 to vector<128x256xf32>
        %max3A_795 = arith.maximumf %sub3A_792, %max3A_794 : vector<128x256xf32>
        %mul3A_796 = arith.mulf %max3A_791, %max3A_795 : vector<128x256xf32>
        %add3A_797 = vector.broadcast %mul3A : vector<128x1xf32> to vector<128x256xf32>
        %add3A_798 = vector.broadcast %concatenate3A_755 : vector<1x256xf32> to vector<128x256xf32>
        %add3A_799 = arith.addf %add3A_797, %add3A_798 : vector<128x256xf32>
        %sub3A_800 = arith.subf %add3A_799, %mul3A_796 : vector<128x256xf32>
        %max3A_801 = arith.constant 9.99999993E-9 : f32
        %max3A_802 = vector.broadcast %max3A_801 : f32 to vector<128x256xf32>
        %max3A_803 = arith.maximumf %sub3A_800, %max3A_802 : vector<128x256xf32>
        %div3A_804 = arith.divf %mul3A_796, %max3A_803 : vector<128x256xf32>
        %gt3A_805 = arith.constant 0.699999988 : f32
        %gt3A_806 = vector.broadcast %gt3A_805 : f32 to vector<128x256xf32>
        %gt3A_807 = arith.cmpf ogt, %div3A_804, %gt3A_806 : vector<128x256xf32>
        %convert_element_type3A_808 = arith.extui %gt3A_807 : vector<128x256xi1> to vector<128x256xi32>
        %convert_element_type3A_809 = arith.sitofp %convert_element_type3A_808 : vector<128x256xi32> to vector<128x256xf32>
        %convert_element_type3A_810 = arith.truncf %convert_element_type3A_809 : vector<128x256xf32> to vector<128x256xbf16>
        %dot_general3A_811 = arith.constant dense<0.000000e+00> : vector<1x256xf32>
        %dot_general3A_812 = tpu.matmul %convert_element_type3A_112, %convert_element_type3A_810, %dot_general3A_811 {dimension_numbers = #tpu.dot_dimension_numbers<[1], [0], [0], [1], [0, 0, 1, 1], [], []>, transpose_lhs_hint = false} : vector<1x128xbf16>, vector<128x256xbf16>, vector<1x256xf32> -> vector<1x256xf32>
        %le3A_813 = arith.constant 5.000000e-01 : f32
        %le3A_814 = vector.broadcast %le3A_813 : f32 to vector<1x256xf32>
        %le3A_815 = arith.cmpf ole, %dot_general3A_812, %le3A_814 : vector<1x256xf32>
        %convert_element_type3A_816 = arith.extui %le3A_815 : vector<1x256xi1> to vector<1x256xi32>
        %convert_element_type3A_817 = arith.sitofp %convert_element_type3A_816 : vector<1x256xi32> to vector<1x256xf32>
        %mul3A_818 = arith.constant 2 : i32
        %mul3A_819 = arith.muli %mul3A_818, %add3A_738 : i32
        %get3A_820 = arith.index_cast %mul3A_819 : i32 to index
        %get3A_821 = arith.constant 0 : index
        %get3A_822 = arith.constant 0 : index
        %get3A_823 = vector.load %arg14[%get3A_820, %get3A_821, %get3A_822] : memref<40x1x128xf32, #tpu.memory_space<vmem>>, vector<1x1x128xf32>
        %get3A_824 = vector.shape_cast %get3A_823 : vector<1x1x128xf32> to vector<1x128xf32>
        %slice3A_825 = vector.extract_strided_slice %convert_element_type3A_817 {offsets = [0, 0], sizes = [1, 128], strides = [1, 1]} : vector<1x256xf32> to vector<1x128xf32>
        %mul3A_826 = arith.mulf %get3A_824, %slice3A_825 : vector<1x128xf32>
        %mul3A_827 = arith.constant 2 : i32
        %mul3A_828 = arith.muli %mul3A_827, %add3A_738 : i32
        %swap3A_829 = arith.index_cast %mul3A_828 : i32 to index
        %swap3A_830 = arith.constant 0 : index
        %swap3A_831 = arith.constant 0 : index
        %swap3A_832 = vector.load %arg14[%swap3A_829, %swap3A_830, %swap3A_831] : memref<40x1x128xf32, #tpu.memory_space<vmem>>, vector<1x1x128xf32>
        %swap3A_833 = vector.shape_cast %swap3A_832 : vector<1x1x128xf32> to vector<1x128xf32>
        %swap3A_834 = vector.shape_cast %mul3A_826 : vector<1x128xf32> to vector<1x1x128xf32>
        tpu.vector_store %arg14[%swap3A_829, %swap3A_830, %swap3A_831], %swap3A_834 {strides = array<i32>} : memref<40x1x128xf32, #tpu.memory_space<vmem>>, vector<1x1x128xf32>,
        %mul3A_835 = arith.constant 2 : i32
        %mul3A_836 = arith.muli %mul3A_835, %add3A_738 : i32
        %add3A_837 = arith.constant 1 : i32
        %add3A_838 = arith.addi %mul3A_836, %add3A_837 : i32
        %get3A_839 = arith.index_cast %add3A_838 : i32 to index
        %get3A_840 = arith.constant 0 : index
        %get3A_841 = arith.constant 0 : index
        %get3A_842 = vector.load %arg14[%get3A_839, %get3A_840, %get3A_841] : memref<40x1x128xf32, #tpu.memory_space<vmem>>, vector<1x1x128xf32>
        %get3A_843 = vector.shape_cast %get3A_842 : vector<1x1x128xf32> to vector<1x128xf32>
        %slice3A_844 = vector.extract_strided_slice %convert_element_type3A_817 {offsets = [0, 128], sizes = [1, 128], strides = [1, 1]} : vector<1x256xf32> to vector<1x128xf32>
        %mul3A_845 = arith.mulf %get3A_843, %slice3A_844 : vector<1x128xf32>
        %mul3A_846 = arith.constant 2 : i32
        %mul3A_847 = arith.muli %mul3A_846, %add3A_738 : i32
        %add3A_848 = arith.constant 1 : i32
        %add3A_849 = arith.addi %mul3A_847, %add3A_848 : i32
        %swap3A_850 = arith.index_cast %add3A_849 : i32 to index
        %swap3A_851 = arith.constant 0 : index
        %swap3A_852 = arith.constant 0 : index
        %swap3A_853 = vector.load %arg14[%swap3A_850, %swap3A_851, %swap3A_852] : memref<40x1x128xf32, #tpu.memory_space<vmem>>, vector<1x1x128xf32>
        %swap3A_854 = vector.shape_cast %swap3A_853 : vector<1x1x128xf32> to vector<1x128xf32>
        %swap3A_855 = vector.shape_cast %mul3A_845 : vector<1x128xf32> to vector<1x1x128xf32>
        tpu.vector_store %arg14[%swap3A_850, %swap3A_851, %swap3A_852], %swap3A_855 {strides = array<i32>} : memref<40x1x128xf32, #tpu.memory_space<vmem>>, vector<1x1x128xf32>,
      }
      %mul3A_316 = arith.constant 4 : i32
      %mul3A_317 = arith.muli %mul3A_316, %select_n3A_305 : i32
      %add3A_318 = arith.addi %add3A_279, %mul3A_317 : i32
      %jit3A_319 = arith.constant 4 : i32
      %eq3A = arith.constant 0 : i32
      %eq3A_320 = arith.cmpi eq, %jit3A_319, %eq3A : i32
      %jit3A_321 = arith.constant 1 : i32
      %select_n3A_322 = arith.select %eq3A_320, %jit3A_321, %jit3A_319 : i32
      %rem3A_323 = arith.remsi %sub3A_281, %select_n3A_322 : i32
      %ne3A_324 = arith.constant 0 : i32
      %ne3A_325 = arith.cmpi ne, %rem3A_323, %ne3A_324 : i32
      %lt3A = arith.constant 0 : i32
      %lt3A_326 = arith.cmpi slt, %rem3A_323, %lt3A : i32
      %lt3A_327 = arith.constant 0 : i32
      %lt3A_328 = arith.cmpi slt, %select_n3A_322, %lt3A_327 : i32
      %ne3A_329 = arith.xori %lt3A_326, %lt3A_328 : i1
      %and3A_330 = arith.andi %ne3A_329, %ne3A_325 : i1
      %add3A_331 = arith.addi %rem3A_323, %select_n3A_322 : i32
      %select_n3A_332 = arith.select %and3A_330, %add3A_331, %rem3A_323 : i32
      %ge3A = arith.constant 1 : i32
      %ge3A_333 = arith.cmpi sge, %select_n3A_332, %ge3A : i32
      %convert_element_type3A_334 = arith.extui %ge3A_333 : i1 to i32
      %cond3A = arith.constant 0 : i32
      %cond3A_335 = arith.cmpi ne, %convert_element_type3A_334, %cond3A : i32
      scf.if %cond3A_335 {
        %mul3A_378 = arith.constant 2 : i32
        %mul3A_379 = arith.muli %mul3A_378, %add3A_318 : i32
        %get3A_380 = arith.index_cast %mul3A_379 : i32 to index
        %get3A_381 = arith.constant 0 : index
        %get3A_382 = arith.constant 0 : index
        %get3A_383 = vector.load %arg15[%get3A_380, %get3A_381, %get3A_382] : memref<40x1x128xf32, #tpu.memory_space<vmem>>, vector<1x1x128xf32>
        %get3A_384 = vector.shape_cast %get3A_383 : vector<1x1x128xf32> to vector<1x128xf32>
        %mul3A_385 = arith.constant 2 : i32
        %mul3A_386 = arith.muli %mul3A_385, %add3A_318 : i32
        %add3A_387 = arith.constant 1 : i32
        %add3A_388 = arith.addi %mul3A_386, %add3A_387 : i32
        %get3A_389 = arith.index_cast %add3A_388 : i32 to index
        %get3A_390 = arith.constant 0 : index
        %get3A_391 = arith.constant 0 : index
        %get3A_392 = vector.load %arg15[%get3A_389, %get3A_390, %get3A_391] : memref<40x1x128xf32, #tpu.memory_space<vmem>>, vector<1x1x128xf32>
        %get3A_393 = vector.shape_cast %get3A_392 : vector<1x1x128xf32> to vector<1x128xf32>
        %concatenate3A_394 = tpu.concatenate %get3A_384, %get3A_393 in 1 : vector<1x128xf32>, vector<1x128xf32> -> vector<1x256xf32>
        %get3A_395 = arith.index_cast %add3A_318 : i32 to index
        %get3A_396 = arith.constant 0 : index
        %get3A_397 = arith.constant 0 : index
        %get3A_398 = vector.load %arg4[%get3A_395, %get3A_396, %get3A_397] : memref<20x1x256xf32, #tpu.memory_space<vmem>>, vector<1x1x256xf32>
        %get3A_399 = vector.shape_cast %get3A_398 : vector<1x1x256xf32> to vector<1x256xf32>
        %get3A_400 = arith.index_cast %add3A_318 : i32 to index
        %get3A_401 = arith.constant 0 : index
        %get3A_402 = arith.constant 0 : index
        %get3A_403 = vector.load %arg5[%get3A_400, %get3A_401, %get3A_402] : memref<20x1x256xf32, #tpu.memory_space<vmem>>, vector<1x1x256xf32>
        %get3A_404 = vector.shape_cast %get3A_403 : vector<1x1x256xf32> to vector<1x256xf32>
        %get3A_405 = arith.index_cast %add3A_318 : i32 to index
        %get3A_406 = arith.constant 0 : index
        %get3A_407 = arith.constant 0 : index
        %get3A_408 = vector.load %arg6[%get3A_405, %get3A_406, %get3A_407] : memref<20x1x256xf32, #tpu.memory_space<vmem>>, vector<1x1x256xf32>
        %get3A_409 = vector.shape_cast %get3A_408 : vector<1x1x256xf32> to vector<1x256xf32>
        %get3A_410 = arith.index_cast %add3A_318 : i32 to index
        %get3A_411 = arith.constant 0 : index
        %get3A_412 = arith.constant 0 : index
        %get3A_413 = vector.load %arg7[%get3A_410, %get3A_411, %get3A_412] : memref<20x1x256xf32, #tpu.memory_space<vmem>>, vector<1x1x256xf32>
        %get3A_414 = vector.shape_cast %get3A_413 : vector<1x1x256xf32> to vector<1x256xf32>
        %max3A_415 = vector.broadcast %get3A_18 : vector<128x1xf32> to vector<128x256xf32>
        %max3A_416 = vector.broadcast %get3A_399 : vector<1x256xf32> to vector<128x256xf32>
        %max3A_417 = arith.maximumf %max3A_415, %max3A_416 : vector<128x256xf32>
        %max3A_418 = vector.broadcast %get3A_23 : vector<128x1xf32> to vector<128x256xf32>
        %max3A_419 = vector.broadcast %get3A_404 : vector<1x256xf32> to vector<128x256xf32>
        %max3A_420 = arith.maximumf %max3A_418, %max3A_419 : vector<128x256xf32>
        %min3A_421 = vector.broadcast %get3A_28 : vector<128x1xf32> to vector<128x256xf32>
        %min3A_422 = vector.broadcast %get3A_409 : vector<1x256xf32> to vector<128x256xf32>
        %min3A_423 = arith.minimumf %min3A_421, %min3A_422 : vector<128x256xf32>
        %min3A_424 = vector.broadcast %get3A_33 : vector<128x1xf32> to vector<128x256xf32>
        %min3A_425 = vector.broadcast %get3A_414 : vector<1x256xf32> to vector<128x256xf32>
        %min3A_426 = arith.minimumf %min3A_424, %min3A_425 : vector<128x256xf32>
        %sub3A_427 = arith.subf %min3A_423, %max3A_417 : vector<128x256xf32>
        %max3A_428 = arith.constant 0.000000e+00 : f32
        %max3A_429 = vector.broadcast %max3A_428 : f32 to vector<128x256xf32>
        %max3A_430 = arith.maximumf %sub3A_427, %max3A_429 : vector<128x256xf32>
        %sub3A_431 = arith.subf %min3A_426, %max3A_420 : vector<128x256xf32>
        %max3A_432 = arith.constant 0.000000e+00 : f32
        %max3A_433 = vector.broadcast %max3A_432 : f32 to vector<128x256xf32>
        %max3A_434 = arith.maximumf %sub3A_431, %max3A_433 : vector<128x256xf32>
        %mul3A_435 = arith.mulf %max3A_430, %max3A_434 : vector<128x256xf32>
        %add3A_436 = vector.broadcast %mul3A : vector<128x1xf32> to vector<128x256xf32>
        %add3A_437 = vector.broadcast %concatenate3A_394 : vector<1x256xf32> to vector<128x256xf32>
        %add3A_438 = arith.addf %add3A_436, %add3A_437 : vector<128x256xf32>
        %sub3A_439 = arith.subf %add3A_438, %mul3A_435 : vector<128x256xf32>
        %max3A_440 = arith.constant 9.99999993E-9 : f32
        %max3A_441 = vector.broadcast %max3A_440 : f32 to vector<128x256xf32>
        %max3A_442 = arith.maximumf %sub3A_439, %max3A_441 : vector<128x256xf32>
        %div3A_443 = arith.divf %mul3A_435, %max3A_442 : vector<128x256xf32>
        %gt3A_444 = arith.constant 0.699999988 : f32
        %gt3A_445 = vector.broadcast %gt3A_444 : f32 to vector<128x256xf32>
        %gt3A_446 = arith.cmpf ogt, %div3A_443, %gt3A_445 : vector<128x256xf32>
        %convert_element_type3A_447 = arith.extui %gt3A_446 : vector<128x256xi1> to vector<128x256xi32>
        %convert_element_type3A_448 = arith.sitofp %convert_element_type3A_447 : vector<128x256xi32> to vector<128x256xf32>
        %convert_element_type3A_449 = arith.truncf %convert_element_type3A_448 : vector<128x256xf32> to vector<128x256xbf16>
        %dot_general3A_450 = arith.constant dense<0.000000e+00> : vector<1x256xf32>
        %dot_general3A_451 = tpu.matmul %convert_element_type3A_112, %convert_element_type3A_449, %dot_general3A_450 {dimension_numbers = #tpu.dot_dimension_numbers<[1], [0], [0], [1], [0, 0, 1, 1], [], []>, transpose_lhs_hint = false} : vector<1x128xbf16>, vector<128x256xbf16>, vector<1x256xf32> -> vector<1x256xf32>
        %le3A_452 = arith.constant 5.000000e-01 : f32
        %le3A_453 = vector.broadcast %le3A_452 : f32 to vector<1x256xf32>
        %le3A_454 = arith.cmpf ole, %dot_general3A_451, %le3A_453 : vector<1x256xf32>
        %convert_element_type3A_455 = arith.extui %le3A_454 : vector<1x256xi1> to vector<1x256xi32>
        %convert_element_type3A_456 = arith.sitofp %convert_element_type3A_455 : vector<1x256xi32> to vector<1x256xf32>
        %mul3A_457 = arith.constant 2 : i32
        %mul3A_458 = arith.muli %mul3A_457, %add3A_318 : i32
        %get3A_459 = arith.index_cast %mul3A_458 : i32 to index
        %get3A_460 = arith.constant 0 : index
        %get3A_461 = arith.constant 0 : index
        %get3A_462 = vector.load %arg14[%get3A_459, %get3A_460, %get3A_461] : memref<40x1x128xf32, #tpu.memory_space<vmem>>, vector<1x1x128xf32>
        %get3A_463 = vector.shape_cast %get3A_462 : vector<1x1x128xf32> to vector<1x128xf32>
        %slice3A_464 = vector.extract_strided_slice %convert_element_type3A_456 {offsets = [0, 0], sizes = [1, 128], strides = [1, 1]} : vector<1x256xf32> to vector<1x128xf32>
        %mul3A_465 = arith.mulf %get3A_463, %slice3A_464 : vector<1x128xf32>
        %mul3A_466 = arith.constant 2 : i32
        %mul3A_467 = arith.muli %mul3A_466, %add3A_318 : i32
        %swap3A_468 = arith.index_cast %mul3A_467 : i32 to index
        %swap3A_469 = arith.constant 0 : index
        %swap3A_470 = arith.constant 0 : index
        %swap3A_471 = vector.load %arg14[%swap3A_468, %swap3A_469, %swap3A_470] : memref<40x1x128xf32, #tpu.memory_space<vmem>>, vector<1x1x128xf32>
        %swap3A_472 = vector.shape_cast %swap3A_471 : vector<1x1x128xf32> to vector<1x128xf32>
        %swap3A_473 = vector.shape_cast %mul3A_465 : vector<1x128xf32> to vector<1x1x128xf32>
        tpu.vector_store %arg14[%swap3A_468, %swap3A_469, %swap3A_470], %swap3A_473 {strides = array<i32>} : memref<40x1x128xf32, #tpu.memory_space<vmem>>, vector<1x1x128xf32>,
        %mul3A_474 = arith.constant 2 : i32
        %mul3A_475 = arith.muli %mul3A_474, %add3A_318 : i32
        %add3A_476 = arith.constant 1 : i32
        %add3A_477 = arith.addi %mul3A_475, %add3A_476 : i32
        %get3A_478 = arith.index_cast %add3A_477 : i32 to index
        %get3A_479 = arith.constant 0 : index
        %get3A_480 = arith.constant 0 : index
        %get3A_481 = vector.load %arg14[%get3A_478, %get3A_479, %get3A_480] : memref<40x1x128xf32, #tpu.memory_space<vmem>>, vector<1x1x128xf32>
        %get3A_482 = vector.shape_cast %get3A_481 : vector<1x1x128xf32> to vector<1x128xf32>
        %slice3A_483 = vector.extract_strided_slice %convert_element_type3A_456 {offsets = [0, 128], sizes = [1, 128], strides = [1, 1]} : vector<1x256xf32> to vector<1x128xf32>
        %mul3A_484 = arith.mulf %get3A_482, %slice3A_483 : vector<1x128xf32>
        %mul3A_485 = arith.constant 2 : i32
        %mul3A_486 = arith.muli %mul3A_485, %add3A_318 : i32
        %add3A_487 = arith.constant 1 : i32
        %add3A_488 = arith.addi %mul3A_486, %add3A_487 : i32
        %swap3A_489 = arith.index_cast %add3A_488 : i32 to index
        %swap3A_490 = arith.constant 0 : index
        %swap3A_491 = arith.constant 0 : index
        %swap3A_492 = vector.load %arg14[%swap3A_489, %swap3A_490, %swap3A_491] : memref<40x1x128xf32, #tpu.memory_space<vmem>>, vector<1x1x128xf32>
        %swap3A_493 = vector.shape_cast %swap3A_492 : vector<1x1x128xf32> to vector<1x128xf32>
        %swap3A_494 = vector.shape_cast %mul3A_484 : vector<1x128xf32> to vector<1x1x128xf32>
        tpu.vector_store %arg14[%swap3A_489, %swap3A_490, %swap3A_491], %swap3A_494 {strides = array<i32>} : memref<40x1x128xf32, #tpu.memory_space<vmem>>, vector<1x1x128xf32>,
      } else {
      }
      %jit3A_336 = arith.constant 4 : i32
      %eq3A_337 = arith.constant 0 : i32
      %eq3A_338 = arith.cmpi eq, %jit3A_336, %eq3A_337 : i32
      %jit3A_339 = arith.constant 1 : i32
      %select_n3A_340 = arith.select %eq3A_338, %jit3A_339, %jit3A_336 : i32
      %rem3A_341 = arith.remsi %sub3A_281, %select_n3A_340 : i32
      %ne3A_342 = arith.constant 0 : i32
      %ne3A_343 = arith.cmpi ne, %rem3A_341, %ne3A_342 : i32
      %lt3A_344 = arith.constant 0 : i32
      %lt3A_345 = arith.cmpi slt, %rem3A_341, %lt3A_344 : i32
      %lt3A_346 = arith.constant 0 : i32
      %lt3A_347 = arith.cmpi slt, %select_n3A_340, %lt3A_346 : i32
      %ne3A_348 = arith.xori %lt3A_345, %lt3A_347 : i1
      %and3A_349 = arith.andi %ne3A_348, %ne3A_343 : i1
      %add3A_350 = arith.addi %rem3A_341, %select_n3A_340 : i32
      %select_n3A_351 = arith.select %and3A_349, %add3A_350, %rem3A_341 : i32
      %ge3A_352 = arith.constant 2 : i32
      %ge3A_353 = arith.cmpi sge, %select_n3A_351, %ge3A_352 : i32
      %convert_element_type3A_354 = arith.extui %ge3A_353 : i1 to i32
      %cond3A_355 = arith.constant 0 : i32
      %cond3A_356 = arith.cmpi ne, %convert_element_type3A_354, %cond3A_355 : i32
      scf.if %cond3A_356 {
        %add3A_378 = arith.constant 1 : i32
        %add3A_379 = arith.addi %add3A_318, %add3A_378 : i32
        %mul3A_380 = arith.constant 2 : i32
        %mul3A_381 = arith.muli %mul3A_380, %add3A_379 : i32
        %get3A_382 = arith.index_cast %mul3A_381 : i32 to index
        %get3A_383 = arith.constant 0 : index
        %get3A_384 = arith.constant 0 : index
        %get3A_385 = vector.load %arg15[%get3A_382, %get3A_383, %get3A_384] : memref<40x1x128xf32, #tpu.memory_space<vmem>>, vector<1x1x128xf32>
        %get3A_386 = vector.shape_cast %get3A_385 : vector<1x1x128xf32> to vector<1x128xf32>
        %mul3A_387 = arith.constant 2 : i32
        %mul3A_388 = arith.muli %mul3A_387, %add3A_379 : i32
        %add3A_389 = arith.constant 1 : i32
        %add3A_390 = arith.addi %mul3A_388, %add3A_389 : i32
        %get3A_391 = arith.index_cast %add3A_390 : i32 to index
        %get3A_392 = arith.constant 0 : index
        %get3A_393 = arith.constant 0 : index
        %get3A_394 = vector.load %arg15[%get3A_391, %get3A_392, %get3A_393] : memref<40x1x128xf32, #tpu.memory_space<vmem>>, vector<1x1x128xf32>
        %get3A_395 = vector.shape_cast %get3A_394 : vector<1x1x128xf32> to vector<1x128xf32>
        %concatenate3A_396 = tpu.concatenate %get3A_386, %get3A_395 in 1 : vector<1x128xf32>, vector<1x128xf32> -> vector<1x256xf32>
        %get3A_397 = arith.index_cast %add3A_379 : i32 to index
        %get3A_398 = arith.constant 0 : index
        %get3A_399 = arith.constant 0 : index
        %get3A_400 = vector.load %arg4[%get3A_397, %get3A_398, %get3A_399] : memref<20x1x256xf32, #tpu.memory_space<vmem>>, vector<1x1x256xf32>
        %get3A_401 = vector.shape_cast %get3A_400 : vector<1x1x256xf32> to vector<1x256xf32>
        %get3A_402 = arith.index_cast %add3A_379 : i32 to index
        %get3A_403 = arith.constant 0 : index
        %get3A_404 = arith.constant 0 : index
        %get3A_405 = vector.load %arg5[%get3A_402, %get3A_403, %get3A_404] : memref<20x1x256xf32, #tpu.memory_space<vmem>>, vector<1x1x256xf32>
        %get3A_406 = vector.shape_cast %get3A_405 : vector<1x1x256xf32> to vector<1x256xf32>
        %get3A_407 = arith.index_cast %add3A_379 : i32 to index
        %get3A_408 = arith.constant 0 : index
        %get3A_409 = arith.constant 0 : index
        %get3A_410 = vector.load %arg6[%get3A_407, %get3A_408, %get3A_409] : memref<20x1x256xf32, #tpu.memory_space<vmem>>, vector<1x1x256xf32>
        %get3A_411 = vector.shape_cast %get3A_410 : vector<1x1x256xf32> to vector<1x256xf32>
        %get3A_412 = arith.index_cast %add3A_379 : i32 to index
        %get3A_413 = arith.constant 0 : index
        %get3A_414 = arith.constant 0 : index
        %get3A_415 = vector.load %arg7[%get3A_412, %get3A_413, %get3A_414] : memref<20x1x256xf32, #tpu.memory_space<vmem>>, vector<1x1x256xf32>
        %get3A_416 = vector.shape_cast %get3A_415 : vector<1x1x256xf32> to vector<1x256xf32>
        %max3A_417 = vector.broadcast %get3A_18 : vector<128x1xf32> to vector<128x256xf32>
        %max3A_418 = vector.broadcast %get3A_401 : vector<1x256xf32> to vector<128x256xf32>
        %max3A_419 = arith.maximumf %max3A_417, %max3A_418 : vector<128x256xf32>
        %max3A_420 = vector.broadcast %get3A_23 : vector<128x1xf32> to vector<128x256xf32>
        %max3A_421 = vector.broadcast %get3A_406 : vector<1x256xf32> to vector<128x256xf32>
        %max3A_422 = arith.maximumf %max3A_420, %max3A_421 : vector<128x256xf32>
        %min3A_423 = vector.broadcast %get3A_28 : vector<128x1xf32> to vector<128x256xf32>
        %min3A_424 = vector.broadcast %get3A_411 : vector<1x256xf32> to vector<128x256xf32>
        %min3A_425 = arith.minimumf %min3A_423, %min3A_424 : vector<128x256xf32>
        %min3A_426 = vector.broadcast %get3A_33 : vector<128x1xf32> to vector<128x256xf32>
        %min3A_427 = vector.broadcast %get3A_416 : vector<1x256xf32> to vector<128x256xf32>
        %min3A_428 = arith.minimumf %min3A_426, %min3A_427 : vector<128x256xf32>
        %sub3A_429 = arith.subf %min3A_425, %max3A_419 : vector<128x256xf32>
        %max3A_430 = arith.constant 0.000000e+00 : f32
        %max3A_431 = vector.broadcast %max3A_430 : f32 to vector<128x256xf32>
        %max3A_432 = arith.maximumf %sub3A_429, %max3A_431 : vector<128x256xf32>
        %sub3A_433 = arith.subf %min3A_428, %max3A_422 : vector<128x256xf32>
        %max3A_434 = arith.constant 0.000000e+00 : f32
        %max3A_435 = vector.broadcast %max3A_434 : f32 to vector<128x256xf32>
        %max3A_436 = arith.maximumf %sub3A_433, %max3A_435 : vector<128x256xf32>
        %mul3A_437 = arith.mulf %max3A_432, %max3A_436 : vector<128x256xf32>
        %add3A_438 = vector.broadcast %mul3A : vector<128x1xf32> to vector<128x256xf32>
        %add3A_439 = vector.broadcast %concatenate3A_396 : vector<1x256xf32> to vector<128x256xf32>
        %add3A_440 = arith.addf %add3A_438, %add3A_439 : vector<128x256xf32>
        %sub3A_441 = arith.subf %add3A_440, %mul3A_437 : vector<128x256xf32>
        %max3A_442 = arith.constant 9.99999993E-9 : f32
        %max3A_443 = vector.broadcast %max3A_442 : f32 to vector<128x256xf32>
        %max3A_444 = arith.maximumf %sub3A_441, %max3A_443 : vector<128x256xf32>
        %div3A_445 = arith.divf %mul3A_437, %max3A_444 : vector<128x256xf32>
        %gt3A_446 = arith.constant 0.699999988 : f32
        %gt3A_447 = vector.broadcast %gt3A_446 : f32 to vector<128x256xf32>
        %gt3A_448 = arith.cmpf ogt, %div3A_445, %gt3A_447 : vector<128x256xf32>
        %convert_element_type3A_449 = arith.extui %gt3A_448 : vector<128x256xi1> to vector<128x256xi32>
        %convert_element_type3A_450 = arith.sitofp %convert_element_type3A_449 : vector<128x256xi32> to vector<128x256xf32>
        %convert_element_type3A_451 = arith.truncf %convert_element_type3A_450 : vector<128x256xf32> to vector<128x256xbf16>
        %dot_general3A_452 = arith.constant dense<0.000000e+00> : vector<1x256xf32>
        %dot_general3A_453 = tpu.matmul %convert_element_type3A_112, %convert_element_type3A_451, %dot_general3A_452 {dimension_numbers = #tpu.dot_dimension_numbers<[1], [0], [0], [1], [0, 0, 1, 1], [], []>, transpose_lhs_hint = false} : vector<1x128xbf16>, vector<128x256xbf16>, vector<1x256xf32> -> vector<1x256xf32>
        %le3A_454 = arith.constant 5.000000e-01 : f32
        %le3A_455 = vector.broadcast %le3A_454 : f32 to vector<1x256xf32>
        %le3A_456 = arith.cmpf ole, %dot_general3A_453, %le3A_455 : vector<1x256xf32>
        %convert_element_type3A_457 = arith.extui %le3A_456 : vector<1x256xi1> to vector<1x256xi32>
        %convert_element_type3A_458 = arith.sitofp %convert_element_type3A_457 : vector<1x256xi32> to vector<1x256xf32>
        %mul3A_459 = arith.constant 2 : i32
        %mul3A_460 = arith.muli %mul3A_459, %add3A_379 : i32
        %get3A_461 = arith.index_cast %mul3A_460 : i32 to index
        %get3A_462 = arith.constant 0 : index
        %get3A_463 = arith.constant 0 : index
        %get3A_464 = vector.load %arg14[%get3A_461, %get3A_462, %get3A_463] : memref<40x1x128xf32, #tpu.memory_space<vmem>>, vector<1x1x128xf32>
        %get3A_465 = vector.shape_cast %get3A_464 : vector<1x1x128xf32> to vector<1x128xf32>
        %slice3A_466 = vector.extract_strided_slice %convert_element_type3A_458 {offsets = [0, 0], sizes = [1, 128], strides = [1, 1]} : vector<1x256xf32> to vector<1x128xf32>
        %mul3A_467 = arith.mulf %get3A_465, %slice3A_466 : vector<1x128xf32>
        %mul3A_468 = arith.constant 2 : i32
        %mul3A_469 = arith.muli %mul3A_468, %add3A_379 : i32
        %swap3A_470 = arith.index_cast %mul3A_469 : i32 to index
        %swap3A_471 = arith.constant 0 : index
        %swap3A_472 = arith.constant 0 : index
        %swap3A_473 = vector.load %arg14[%swap3A_470, %swap3A_471, %swap3A_472] : memref<40x1x128xf32, #tpu.memory_space<vmem>>, vector<1x1x128xf32>
        %swap3A_474 = vector.shape_cast %swap3A_473 : vector<1x1x128xf32> to vector<1x128xf32>
        %swap3A_475 = vector.shape_cast %mul3A_467 : vector<1x128xf32> to vector<1x1x128xf32>
        tpu.vector_store %arg14[%swap3A_470, %swap3A_471, %swap3A_472], %swap3A_475 {strides = array<i32>} : memref<40x1x128xf32, #tpu.memory_space<vmem>>, vector<1x1x128xf32>,
        %mul3A_476 = arith.constant 2 : i32
        %mul3A_477 = arith.muli %mul3A_476, %add3A_379 : i32
        %add3A_478 = arith.constant 1 : i32
        %add3A_479 = arith.addi %mul3A_477, %add3A_478 : i32
        %get3A_480 = arith.index_cast %add3A_479 : i32 to index
        %get3A_481 = arith.constant 0 : index
        %get3A_482 = arith.constant 0 : index
        %get3A_483 = vector.load %arg14[%get3A_480, %get3A_481, %get3A_482] : memref<40x1x128xf32, #tpu.memory_space<vmem>>, vector<1x1x128xf32>
        %get3A_484 = vector.shape_cast %get3A_483 : vector<1x1x128xf32> to vector<1x128xf32>
        %slice3A_485 = vector.extract_strided_slice %convert_element_type3A_458 {offsets = [0, 128], sizes = [1, 128], strides = [1, 1]} : vector<1x256xf32> to vector<1x128xf32>
        %mul3A_486 = arith.mulf %get3A_484, %slice3A_485 : vector<1x128xf32>
        %mul3A_487 = arith.constant 2 : i32
        %mul3A_488 = arith.muli %mul3A_487, %add3A_379 : i32
        %add3A_489 = arith.constant 1 : i32
        %add3A_490 = arith.addi %mul3A_488, %add3A_489 : i32
        %swap3A_491 = arith.index_cast %add3A_490 : i32 to index
        %swap3A_492 = arith.constant 0 : index
        %swap3A_493 = arith.constant 0 : index
        %swap3A_494 = vector.load %arg14[%swap3A_491, %swap3A_492, %swap3A_493] : memref<40x1x128xf32, #tpu.memory_space<vmem>>, vector<1x1x128xf32>
        %swap3A_495 = vector.shape_cast %swap3A_494 : vector<1x1x128xf32> to vector<1x128xf32>
        %swap3A_496 = vector.shape_cast %mul3A_486 : vector<1x128xf32> to vector<1x1x128xf32>
        tpu.vector_store %arg14[%swap3A_491, %swap3A_492, %swap3A_493], %swap3A_496 {strides = array<i32>} : memref<40x1x128xf32, #tpu.memory_space<vmem>>, vector<1x1x128xf32>,
      } else {
      }
      %jit3A_357 = arith.constant 4 : i32
      %eq3A_358 = arith.constant 0 : i32
      %eq3A_359 = arith.cmpi eq, %jit3A_357, %eq3A_358 : i32
      %jit3A_360 = arith.constant 1 : i32
      %select_n3A_361 = arith.select %eq3A_359, %jit3A_360, %jit3A_357 : i32
      %rem3A_362 = arith.remsi %sub3A_281, %select_n3A_361 : i32
      %ne3A_363 = arith.constant 0 : i32
      %ne3A_364 = arith.cmpi ne, %rem3A_362, %ne3A_363 : i32
      %lt3A_365 = arith.constant 0 : i32
      %lt3A_366 = arith.cmpi slt, %rem3A_362, %lt3A_365 : i32
      %lt3A_367 = arith.constant 0 : i32
      %lt3A_368 = arith.cmpi slt, %select_n3A_361, %lt3A_367 : i32
      %ne3A_369 = arith.xori %lt3A_366, %lt3A_368 : i1
      %and3A_370 = arith.andi %ne3A_369, %ne3A_364 : i1
      %add3A_371 = arith.addi %rem3A_362, %select_n3A_361 : i32
      %select_n3A_372 = arith.select %and3A_370, %add3A_371, %rem3A_362 : i32
      %ge3A_373 = arith.constant 3 : i32
      %ge3A_374 = arith.cmpi sge, %select_n3A_372, %ge3A_373 : i32
      %convert_element_type3A_375 = arith.extui %ge3A_374 : i1 to i32
      %cond3A_376 = arith.constant 0 : i32
      %cond3A_377 = arith.cmpi ne, %convert_element_type3A_375, %cond3A_376 : i32
      scf.if %cond3A_377 {
        %add3A_378 = arith.constant 2 : i32
        %add3A_379 = arith.addi %add3A_318, %add3A_378 : i32
        %mul3A_380 = arith.constant 2 : i32
        %mul3A_381 = arith.muli %mul3A_380, %add3A_379 : i32
        %get3A_382 = arith.index_cast %mul3A_381 : i32 to index
        %get3A_383 = arith.constant 0 : index
        %get3A_384 = arith.constant 0 : index
        %get3A_385 = vector.load %arg15[%get3A_382, %get3A_383, %get3A_384] : memref<40x1x128xf32, #tpu.memory_space<vmem>>, vector<1x1x128xf32>
        %get3A_386 = vector.shape_cast %get3A_385 : vector<1x1x128xf32> to vector<1x128xf32>
        %mul3A_387 = arith.constant 2 : i32
        %mul3A_388 = arith.muli %mul3A_387, %add3A_379 : i32
        %add3A_389 = arith.constant 1 : i32
        %add3A_390 = arith.addi %mul3A_388, %add3A_389 : i32
        %get3A_391 = arith.index_cast %add3A_390 : i32 to index
        %get3A_392 = arith.constant 0 : index
        %get3A_393 = arith.constant 0 : index
        %get3A_394 = vector.load %arg15[%get3A_391, %get3A_392, %get3A_393] : memref<40x1x128xf32, #tpu.memory_space<vmem>>, vector<1x1x128xf32>
        %get3A_395 = vector.shape_cast %get3A_394 : vector<1x1x128xf32> to vector<1x128xf32>
        %concatenate3A_396 = tpu.concatenate %get3A_386, %get3A_395 in 1 : vector<1x128xf32>, vector<1x128xf32> -> vector<1x256xf32>
        %get3A_397 = arith.index_cast %add3A_379 : i32 to index
        %get3A_398 = arith.constant 0 : index
        %get3A_399 = arith.constant 0 : index
        %get3A_400 = vector.load %arg4[%get3A_397, %get3A_398, %get3A_399] : memref<20x1x256xf32, #tpu.memory_space<vmem>>, vector<1x1x256xf32>
        %get3A_401 = vector.shape_cast %get3A_400 : vector<1x1x256xf32> to vector<1x256xf32>
        %get3A_402 = arith.index_cast %add3A_379 : i32 to index
        %get3A_403 = arith.constant 0 : index
        %get3A_404 = arith.constant 0 : index
        %get3A_405 = vector.load %arg5[%get3A_402, %get3A_403, %get3A_404] : memref<20x1x256xf32, #tpu.memory_space<vmem>>, vector<1x1x256xf32>
        %get3A_406 = vector.shape_cast %get3A_405 : vector<1x1x256xf32> to vector<1x256xf32>
        %get3A_407 = arith.index_cast %add3A_379 : i32 to index
        %get3A_408 = arith.constant 0 : index
        %get3A_409 = arith.constant 0 : index
        %get3A_410 = vector.load %arg6[%get3A_407, %get3A_408, %get3A_409] : memref<20x1x256xf32, #tpu.memory_space<vmem>>, vector<1x1x256xf32>
        %get3A_411 = vector.shape_cast %get3A_410 : vector<1x1x256xf32> to vector<1x256xf32>
        %get3A_412 = arith.index_cast %add3A_379 : i32 to index
        %get3A_413 = arith.constant 0 : index
        %get3A_414 = arith.constant 0 : index
        %get3A_415 = vector.load %arg7[%get3A_412, %get3A_413, %get3A_414] : memref<20x1x256xf32, #tpu.memory_space<vmem>>, vector<1x1x256xf32>
        %get3A_416 = vector.shape_cast %get3A_415 : vector<1x1x256xf32> to vector<1x256xf32>
        %max3A_417 = vector.broadcast %get3A_18 : vector<128x1xf32> to vector<128x256xf32>
        %max3A_418 = vector.broadcast %get3A_401 : vector<1x256xf32> to vector<128x256xf32>
        %max3A_419 = arith.maximumf %max3A_417, %max3A_418 : vector<128x256xf32>
        %max3A_420 = vector.broadcast %get3A_23 : vector<128x1xf32> to vector<128x256xf32>
        %max3A_421 = vector.broadcast %get3A_406 : vector<1x256xf32> to vector<128x256xf32>
        %max3A_422 = arith.maximumf %max3A_420, %max3A_421 : vector<128x256xf32>
        %min3A_423 = vector.broadcast %get3A_28 : vector<128x1xf32> to vector<128x256xf32>
        %min3A_424 = vector.broadcast %get3A_411 : vector<1x256xf32> to vector<128x256xf32>
        %min3A_425 = arith.minimumf %min3A_423, %min3A_424 : vector<128x256xf32>
        %min3A_426 = vector.broadcast %get3A_33 : vector<128x1xf32> to vector<128x256xf32>
        %min3A_427 = vector.broadcast %get3A_416 : vector<1x256xf32> to vector<128x256xf32>
        %min3A_428 = arith.minimumf %min3A_426, %min3A_427 : vector<128x256xf32>
        %sub3A_429 = arith.subf %min3A_425, %max3A_419 : vector<128x256xf32>
        %max3A_430 = arith.constant 0.000000e+00 : f32
        %max3A_431 = vector.broadcast %max3A_430 : f32 to vector<128x256xf32>
        %max3A_432 = arith.maximumf %sub3A_429, %max3A_431 : vector<128x256xf32>
        %sub3A_433 = arith.subf %min3A_428, %max3A_422 : vector<128x256xf32>
        %max3A_434 = arith.constant 0.000000e+00 : f32
        %max3A_435 = vector.broadcast %max3A_434 : f32 to vector<128x256xf32>
        %max3A_436 = arith.maximumf %sub3A_433, %max3A_435 : vector<128x256xf32>
        %mul3A_437 = arith.mulf %max3A_432, %max3A_436 : vector<128x256xf32>
        %add3A_438 = vector.broadcast %mul3A : vector<128x1xf32> to vector<128x256xf32>
        %add3A_439 = vector.broadcast %concatenate3A_396 : vector<1x256xf32> to vector<128x256xf32>
        %add3A_440 = arith.addf %add3A_438, %add3A_439 : vector<128x256xf32>
        %sub3A_441 = arith.subf %add3A_440, %mul3A_437 : vector<128x256xf32>
        %max3A_442 = arith.constant 9.99999993E-9 : f32
        %max3A_443 = vector.broadcast %max3A_442 : f32 to vector<128x256xf32>
        %max3A_444 = arith.maximumf %sub3A_441, %max3A_443 : vector<128x256xf32>
        %div3A_445 = arith.divf %mul3A_437, %max3A_444 : vector<128x256xf32>
        %gt3A_446 = arith.constant 0.699999988 : f32
        %gt3A_447 = vector.broadcast %gt3A_446 : f32 to vector<128x256xf32>
        %gt3A_448 = arith.cmpf ogt, %div3A_445, %gt3A_447 : vector<128x256xf32>
        %convert_element_type3A_449 = arith.extui %gt3A_448 : vector<128x256xi1> to vector<128x256xi32>
        %convert_element_type3A_450 = arith.sitofp %convert_element_type3A_449 : vector<128x256xi32> to vector<128x256xf32>
        %convert_element_type3A_451 = arith.truncf %convert_element_type3A_450 : vector<128x256xf32> to vector<128x256xbf16>
        %dot_general3A_452 = arith.constant dense<0.000000e+00> : vector<1x256xf32>
        %dot_general3A_453 = tpu.matmul %convert_element_type3A_112, %convert_element_type3A_451, %dot_general3A_452 {dimension_numbers = #tpu.dot_dimension_numbers<[1], [0], [0], [1], [0, 0, 1, 1], [], []>, transpose_lhs_hint = false} : vector<1x128xbf16>, vector<128x256xbf16>, vector<1x256xf32> -> vector<1x256xf32>
        %le3A_454 = arith.constant 5.000000e-01 : f32
        %le3A_455 = vector.broadcast %le3A_454 : f32 to vector<1x256xf32>
        %le3A_456 = arith.cmpf ole, %dot_general3A_453, %le3A_455 : vector<1x256xf32>
        %convert_element_type3A_457 = arith.extui %le3A_456 : vector<1x256xi1> to vector<1x256xi32>
        %convert_element_type3A_458 = arith.sitofp %convert_element_type3A_457 : vector<1x256xi32> to vector<1x256xf32>
        %mul3A_459 = arith.constant 2 : i32
        %mul3A_460 = arith.muli %mul3A_459, %add3A_379 : i32
        %get3A_461 = arith.index_cast %mul3A_460 : i32 to index
        %get3A_462 = arith.constant 0 : index
        %get3A_463 = arith.constant 0 : index
        %get3A_464 = vector.load %arg14[%get3A_461, %get3A_462, %get3A_463] : memref<40x1x128xf32, #tpu.memory_space<vmem>>, vector<1x1x128xf32>
        %get3A_465 = vector.shape_cast %get3A_464 : vector<1x1x128xf32> to vector<1x128xf32>
        %slice3A_466 = vector.extract_strided_slice %convert_element_type3A_458 {offsets = [0, 0], sizes = [1, 128], strides = [1, 1]} : vector<1x256xf32> to vector<1x128xf32>
        %mul3A_467 = arith.mulf %get3A_465, %slice3A_466 : vector<1x128xf32>
        %mul3A_468 = arith.constant 2 : i32
        %mul3A_469 = arith.muli %mul3A_468, %add3A_379 : i32
        %swap3A_470 = arith.index_cast %mul3A_469 : i32 to index
        %swap3A_471 = arith.constant 0 : index
        %swap3A_472 = arith.constant 0 : index
        %swap3A_473 = vector.load %arg14[%swap3A_470, %swap3A_471, %swap3A_472] : memref<40x1x128xf32, #tpu.memory_space<vmem>>, vector<1x1x128xf32>
        %swap3A_474 = vector.shape_cast %swap3A_473 : vector<1x1x128xf32> to vector<1x128xf32>
        %swap3A_475 = vector.shape_cast %mul3A_467 : vector<1x128xf32> to vector<1x1x128xf32>
        tpu.vector_store %arg14[%swap3A_470, %swap3A_471, %swap3A_472], %swap3A_475 {strides = array<i32>} : memref<40x1x128xf32, #tpu.memory_space<vmem>>, vector<1x1x128xf32>,
        %mul3A_476 = arith.constant 2 : i32
        %mul3A_477 = arith.muli %mul3A_476, %add3A_379 : i32
        %add3A_478 = arith.constant 1 : i32
        %add3A_479 = arith.addi %mul3A_477, %add3A_478 : i32
        %get3A_480 = arith.index_cast %add3A_479 : i32 to index
        %get3A_481 = arith.constant 0 : index
        %get3A_482 = arith.constant 0 : index
        %get3A_483 = vector.load %arg14[%get3A_480, %get3A_481, %get3A_482] : memref<40x1x128xf32, #tpu.memory_space<vmem>>, vector<1x1x128xf32>
        %get3A_484 = vector.shape_cast %get3A_483 : vector<1x1x128xf32> to vector<1x128xf32>
        %slice3A_485 = vector.extract_strided_slice %convert_element_type3A_458 {offsets = [0, 128], sizes = [1, 128], strides = [1, 1]} : vector<1x256xf32> to vector<1x128xf32>
        %mul3A_486 = arith.mulf %get3A_484, %slice3A_485 : vector<1x128xf32>
        %mul3A_487 = arith.constant 2 : i32
        %mul3A_488 = arith.muli %mul3A_487, %add3A_379 : i32
        %add3A_489 = arith.constant 1 : i32
        %add3A_490 = arith.addi %mul3A_488, %add3A_489 : i32
        %swap3A_491 = arith.index_cast %add3A_490 : i32 to index
        %swap3A_492 = arith.constant 0 : index
        %swap3A_493 = arith.constant 0 : index
        %swap3A_494 = vector.load %arg14[%swap3A_491, %swap3A_492, %swap3A_493] : memref<40x1x128xf32, #tpu.memory_space<vmem>>, vector<1x1x128xf32>
        %swap3A_495 = vector.shape_cast %swap3A_494 : vector<1x1x128xf32> to vector<1x128xf32>
        %swap3A_496 = vector.shape_cast %mul3A_486 : vector<1x128xf32> to vector<1x1x128xf32>
        tpu.vector_store %arg14[%swap3A_491, %swap3A_492, %swap3A_493], %swap3A_496 {strides = array<i32>} : memref<40x1x128xf32, #tpu.memory_space<vmem>>, vector<1x1x128xf32>,
      } else {
      }
    }
    %scan3A_8 = arith.constant 40 : i32
    %scan3A_9 = arith.constant 0 : i32
    %scan3A_10 = arith.constant 40 : i32
    %scan3A_11 = arith.addi %scan3A_9, %scan3A_10 : i32
    %scan3A_12 = arith.constant 1 : i32
    scf.for %scan3A_14 = %scan3A_9 to %scan3A_11 step %scan3A_12  : i32 {
      %get3A = arith.index_cast %scan3A_14 : i32 to index
      %get3A_15 = arith.constant 0 : index
      %get3A_16 = arith.constant 0 : index
      %get3A_17 = vector.load %arg12[%get3A, %get3A_15, %get3A_16] : memref<40x1x128xf32, #tpu.memory_space<vmem>>, vector<1x1x128xf32>
      %get3A_18 = vector.shape_cast %get3A_17 : vector<1x1x128xf32> to vector<1x128xf32>
      %get3A_19 = arith.index_cast %scan3A_14 : i32 to index
      %get3A_20 = arith.constant 0 : index
      %get3A_21 = arith.constant 0 : index
      %get3A_22 = vector.load %arg14[%get3A_19, %get3A_20, %get3A_21] : memref<40x1x128xf32, #tpu.memory_space<vmem>>, vector<1x1x128xf32>
      %get3A_23 = vector.shape_cast %get3A_22 : vector<1x1x128xf32> to vector<1x128xf32>
      %mul3A = arith.mulf %get3A_18, %get3A_23 : vector<1x128xf32>
      %swap3A = arith.index_cast %scan3A_14 : i32 to index
      %swap3A_24 = arith.constant 0 : index
      %swap3A_25 = arith.constant 0 : index
      %swap3A_26 = vector.load %arg13[%swap3A, %swap3A_24, %swap3A_25] : memref<40x1x128xf32, #tpu.memory_space<vmem>>, vector<1x1x128xf32>
      %swap3A_27 = vector.shape_cast %swap3A_26 : vector<1x1x128xf32> to vector<1x128xf32>
      %swap3A_28 = vector.shape_cast %mul3A : vector<1x128xf32> to vector<1x1x128xf32>
      tpu.vector_store %arg13[%swap3A, %swap3A_24, %swap3A_25], %swap3A_28 {strides = array<i32>} : memref<40x1x128xf32, #tpu.memory_space<vmem>>, vector<1x1x128xf32>,
    }
    %scan3A_13 = arith.constant 40 : i32
    return
  }
}

</mosaic_0001>

<sc_bundles>
// kernel: kernel.5.cloned.1.call-start
scs
__scs_entry_jumppad:
0x0: {  	(pc) =	sbr.rel $0x88, $3  }
0x1: {  	(tag) =	ssettag $0x0;
	lr =	simm.s32 $0x1  }
0x2: {  	[smem:$0x3F9F] =	sst lr;
	_ =	strace $0xD0000000  }
0x3: {  	_ = 	snop  }
0x4: {  	_ = 	snop  }
0x5: {  	_ = 	snop  }
0x6: {  	_ = 	snop  }
0x7: {  	_ = 	snop  }
__scs_overlays_trampoline_lowered:
0x8: {  	[smem:$0x3FAE] =	sst s0  }
0x9: {  	[smem:$0x3FAF] =	sst s1  }
0xa: {  	[smem:$0x3FB0] =	sst s2  }
0xb: {  	[smem:$0x3FB1] =	sst s3  }
0xc: {  	[smem:$0x3FB2] =	sst s4  }
0xd: {  	[smem:$0x3FB3] =	sst s5  }
0xe: {  	[smem:$0x3FB4] =	sst s6  }
0xf: {  	[smem:$0x3FB5] =	sst s7  }
0x10: {  	[smem:$0x3FB6] =	sst s8  }
0x11: {  	[smem:$0x3FB7] =	sst s9;
	s0 =	simm.s32 @!p0 $0x0  }
0x12: {  	s1 =	sld [smem:$0x3F9D];
	s0 =	simm.s32 @p0 $0x1  }
0x13: {  	[smem:$0x3FB8] =	sst s0;
	s0 =	simm.s32 @!p1 $0x0  }
0x14: {  	s2 =	sld [smem:$0x3F9C];
	s0 =	simm.s32 @p1 $0x1  }
0x15: {  	[smem:$0x3FB9] =	sst s0;
	s0 =	simm.s32 @!p2 $0x0  }
0x16: {  	s3 =	sld [smem:$0x3FDB];
	s0 =	simm.s32 @p2 $0x1  }
0x17: {  	s4 =	simm.s32 $0x1BF5;
	[smem:$0x3FBB] =	sst s0  }
0x18: {  	s0 =	sld [smem:$0x3F9E];
	_ =	swait.ge [sflag:s4], $0x0  }
0x19: {  	s7 =	sld [smem:$0x3F9F]  }
0x1a: {  	s8 =	sadd.s32 $0xFFFFE003, lr  }
0x1b: {  	s9 =	sadd.s32 $0xFFFFFEF7, lr;
	s5 =	simm.s32 $0xFFFFFFFF;
	p2 =	slt.u32 s8, $0xFFFFF086  }
0x1c: {  	p1 =	slt.u32 s9, $0xF7A;
	s5 =	simm.s32 @!p2 $0x0  }
0x1d: {  	s5 =	simm.s32 @p1 $0x1;
	p0 =	seq.s32 s7, s2  }
0x1e: {  	s7 =	smul.u32 @!p0 $0xF7A, s2;
	p2 =	seq.s32 @!p0 s5, $0x0  }
0x1f: {  	s9 =	smul.u32 $0xF7A, s1;
	s8 =	simm.s32 @!p0 $0x1BF5;
	p2 =	por !p2, p0  }
0x20: {  	[sflag:s8] =	ssyncset.s32 @!p0 $0xFFFFF086;
	s6 =	sadd.s32 @!p0 s3, s7;
	s7 =	simm.s32 @!p0 $0x108  }
0x21: {  	s3 =	sadd.s32 s3, s9;
	s6 =	sadd.s32 @!p0 $0x88, s6;
	s7 =	simm.s32 @p2 $0x1082  }
0x22: {  	[simem:s7], [sflag:s8] =	dma.local @!p0 [hbm:s6], $0xF7A  }
0x23: {  	s9 =	sor.u32 $0xD0000000, s2;
	s6 =	simm.s32 $0x108;
	_ =	swait.ge @!p0 [sflag:s8], $0x0  }
0x24: {  	s3 =	sadd.s32 $0x88, s3;
	s6 =	simm.s32 @!p1 $0x1082;
	[sflag:s4] =	ssyncset.s32 $0xFFFFF086  }
0x25: {  	[simem:s6], [sflag:s4] =	dma.local [hbm:s3], $0xF7A  }
0x26: {  	[smem:$0x3F9F] =	sst s1;
	(tag) =	ssettag s2;
	_ =	strace s9  }
0x27: {  	s1 =	sld [smem:$0x3FAF]  }
0x28: {  	s2 =	sld [smem:$0x3FB0]  }
0x29: {  	s4 =	sld [smem:$0x3FB2]  }
0x2a: {  	p0 =	seq.s32 s5, $0x0;
	s5 =	sld [smem:$0x3FB3]  }
0x2b: {  	s6 =	sld [smem:$0x3FB4]  }
0x2c: {  	s7 =	sld [smem:$0x3FB5]  }
0x2d: {  	s3 =	simm.s32 $0x108;
	s8 =	sld [smem:$0x3FB6]  }
0x2e: {  	s3 =	simm.s32 @!p0 $0x1082;
	s9 =	sld [smem:$0x3FB7]  }
0x2f: {  	lr =	sadd.s32 s0, s3;
	s0 =	sld [smem:$0x3FAE]  }
0x30: {  	s3 =	sld [smem:$0x3FB1]  }
0x31: {  	[smem:$0x3FBA] =	sst s10  }
0x32: {  	s10 =	sld [smem:$0x3FB8];
	_ =	sdelay $0x3  }
0x33: {  	p0 =	seq.s32 s10, $0x1;
	s10 =	sld [smem:$0x3FBA];
	_ =	sdelay $0x3  }
0x34: {  	[smem:$0x3FBA] =	sst s10  }
0x35: {  	s10 =	sld [smem:$0x3FB9];
	_ =	sdelay $0x3  }
0x36: {  	p1 =	seq.s32 s10, $0x1;
	s10 =	sld [smem:$0x3FBA];
	_ =	sdelay $0x3  }
0x37: {  	[smem:$0x3FBA] =	sst s10  }
0x38: {  	s10 =	sld [smem:$0x3FBB]  }
0x39: {  	_ = 	snop;
	(pc) =	sbr.ind lr, $3  }
0x3a: {  	_ = 	snop  }
0x3b: {  	_ = 	snop  }
0x3c: {  	p2 =	seq.s32 s10, $0x1;
	s10 =	sld [smem:$0x3FBA]  }
0x3d: {  	_ =	shalt  }
0x3e: {  	_ =	shalt  }
0x3f: {  	_ =	shalt  }
0x40: {  	_ =	shalt  }
0x41: {  	_ =	shalt  }
0x42: {  	_ =	shalt  }
0x43: {  	_ =	shalt  }
0x44: {  	_ =	shalt  }
0x45: {  	_ =	shalt  }
0x46: {  	_ =	shalt  }
0x47: {  	_ =	shalt  }
0x48: {  	_ =	shalt  }
0x49: {  	_ =	shalt  }
0x4a: {  	_ =	shalt  }
0x4b: {  	_ =	shalt  }
0x4c: {  	_ =	shalt  }
0x4d: {  	_ =	shalt  }
0x4e: {  	_ =	shalt  }
0x4f: {  	_ =	shalt  }
0x50: {  	_ =	shalt  }
0x51: {  	_ =	shalt  }
0x52: {  	_ =	shalt  }
0x53: {  	_ =	shalt  }
0x54: {  	_ =	shalt  }
0x55: {  	_ =	shalt  }
0x56: {  	_ =	shalt  }
0x57: {  	_ =	shalt  }
0x58: {  	_ =	shalt  }
0x59: {  	_ =	shalt  }
0x5a: {  	_ =	shalt  }
0x5b: {  	_ =	shalt  }
0x5c: {  	_ =	shalt  }
0x5d: {  	_ =	shalt  }
0x5e: {  	_ =	shalt  }
0x5f: {  	_ =	shalt  }
0x60: {  	_ =	shalt  }
0x61: {  	_ =	shalt  }
0x62: {  	_ =	shalt  }
0x63: {  	_ =	shalt  }
0x64: {  	_ =	shalt  }
0x65: {  	_ =	shalt  }
0x66: {  	_ =	shalt  }
0x67: {  	_ =	shalt  }
0x68: {  	_ =	shalt  }
0x69: {  	_ =	shalt  }
0x6a: {  	_ =	shalt  }
0x6b: {  	_ =	shalt  }
0x6c: {  	_ =	shalt  }
0x6d: {  	_ =	shalt  }
0x6e: {  	_ =	shalt  }
0x6f: {  	_ =	shalt  }
0x70: {  	_ =	shalt  }
0x71: {  	_ =	shalt  }
0x72: {  	_ =	shalt  }
0x73: {  	_ =	shalt  }
0x74: {  	_ =	shalt  }
0x75: {  	_ =	shalt  }
0x76: {  	_ =	shalt  }
0x77: {  	_ =	shalt  }
0x78: {  	_ =	shalt  }
0x79: {  	_ =	shalt  }
0x7a: {  	_ =	shalt  }
0x7b: {  	_ =	shalt  }
0x7c: {  	_ =	shalt  }
0x7d: {  	_ =	shalt  }
0x7e: {  	_ =	shalt  }
0x7f: {  	_ =	shalt  }
0x80: {  	_ =	shalt  }
0x81: {  	_ =	shalt  }
0x82: {  	_ =	shalt  }
0x83: {  	_ =	shalt  }
0x84: {  	_ =	shalt  }
0x85: {  	_ =	shalt  }
0x86: {  	_ =	shalt  }
0x87: {  	_ =	shalt  }
.Lfunc_end0:
.L_simem_size_0:
called_computation_lowered:
.L_overlay_start_0:
0x88: {  	s2 =	sld [smem:$0x3FD9]  }
0x89: {  	s3 =	sld [smem:$0x3FFE];
	_ =	sdelay $0x1  }
0x8a: {  	s1 =	srdreg.scid  }
0x8b: {  	s0 =	sand.u32 $0x1, s1  }
0x8c: {  	s16 =	sshll.u32 s0, $0xA;
	s2 =	sadd.s32 s3, s2  }
0x8d: {  	s2 =	sadd.s32 s2, s16  }
0x8e: {  	[smem:$0x3FC6] =	sst s2  }
0x8f: {  	_ = 	snop  }
0x90: {  	(tm) =	ssettm $0x1  }
0x91: {  	s17 =	sld [smem:$0x3FFB];
	_ =	sdelay $0x3  }
0x92: {  	_ =	strace s17  }
0x93: {  	s2 =	sld [smem:$0x3FFC];
	_ =	sdelay $0x3  }
0x94: {  	_ =	strace s2  }
0x95: {  	s2 =	sld [smem:$0x3FFD];
	_ =	sdelay $0x3  }
0x96: {  	_ =	strace s2  }
0x97: {  	_ =	strace $0x8FFFFFFF  }
0x98: {  	s18 =	sld [smem:$0x3FDB];
	_ =	sdelay $0x1  }
0x99: {  	s19 =	simm.s32 $_scs_section_size  }
0x9a: {  	s4 =	simm.s32 $_size__tile_overlayer_lowered;
	s5 =	simm.s32 $_tile_overlayer_lowered  }
0x9b: {  	s22 =	simm.s32 $0x1BFF;
	s21 =	sshll.u32 s5, $0x1;
	s2 =	sadd.s32 s19, s18  }
0x9c: {  	s6 =	simm.s32 $0x0;
	s20 =	sshll.u32 s4, $0x1;
	s4 =	sadd.s32 s21, s2  }
0x9d: {  	[timem:s6], [sflag:s22] =	dma.local [hbm:s4], s20  }
0x9e: {  	_ =	swait.ge [sflag:s22], s20  }
0x9f: {  	s3 =	ssub.s32 $0x0, s20;
	[sflag:s22] =	ssyncset.done $0x0  }
0xa0: {  	[sflag:s22] =	ssyncadd.s32 s3;
	_ =	sdelay $0x1  }
0xa1: {  	s23 =	simm.s32 $0x1B8B  }
0xa2: {  	_ =	swait.ge [sflag:s23], $0x1  }
0xa3: {  	[sflag:s23] =	ssyncset.done $0x0  }
0xa4: {  	s25 =	simm.s32 $0x1B8E;
	s24 =	sld [smem:$0x3FFE];
	[sflag:s23] =	ssyncadd.s32 $0xFFFFFFFF  }
0xa5: {  	s26 =	simm.s32 $execute0_lowered;
	[smem:$0x3FD2] =	sst s25  }
0xa6: {  	s4 =	sshll.u32 s26, $0x1;
	_ =	strace $0x80000046;
	[dreg:$0x1] =	wrdreg $0xFFFFFFFF  }
0xa7: {  	s28 =	simm.s32 $_size_execute0_lowered;
	s2 =	sadd.s32 s2, s4;
	[dreg:$0x0] =	wrdreg $0x0  }
0xa8: {  	s4 =	sshll.u32 s28, $0x1;
	[dreg:$0x2] =	wrdreg s2  }
0xa9: {  	[dreg:$0x3] =	wrdreg s4  }
0xaa: {  	[dreg:$0x4] =	wrdreg $0xC0  }
0xab: {  	_ =	task [dreg:s6], $0x5FFFF  }
0xac: {  	[dreg:$0x1] =	wrdreg $0xFFFFFFFF  }
0xad: {  	[dreg:$0x0] =	wrdreg $0x60  }
0xae: {  	[dreg:$0x2] =	wrdreg s24  }
0xaf: {  	[dreg:$0x3] =	wrdreg $0x9  }
0xb0: {  	_ =	task.clear_ibuf [dreg:s6], $0x4FFFF;
	_ =	strace $0x90000046  }
0xb1: {  	s29 =	simm.s32 $0x9;
	_ =	strace $0x80000048  }
0xb2: {  	_ =	swait.ge [sflag:s29], $0x1  }
0xb3: {  	[sflag:s29] =	ssyncadd.s32 $0xFFFFFFFF  }
0xb4: {  	_ =	strace $0x90000048  }
0xb5: {  	_ =	sfence  }
0xb6: {  	s30 =	sld [smem:$0x0];
	_ =	sdelay $0x2  }
0xb7: {  	s31 =	sshll.u32 s1, $0xD;
	s1 =	sshrl.u32 s1, $0x2  }
0xb8: {  	s3 =	sand.u32 $0x4000, s31;
	s1 =	sadd.s32 s1, s30  }
0xb9: {  	s0 =	sor.u32 s3, s0;
	s1 =	sshll.u32 s1, $0x11  }
0xba: {  	s0 =	sor.u32 s1, s0  }
0xbb: {  	s0 =	sadd.s32 $0x8F2B, s0  }
0xbc: {  	[sflag:s0] =	ssyncadd.remote.s32 $0x1  }
0xbd: {  	_ =	sfence.sel $0xFFFF  }
0xbe: {  	[dreg:$0x0] =	wrdreg $0xFFFFFFFF;
	(pc) =	sbr.abs _section_cstart, $3  }
0xbf: {  	[dreg:$0x1] =	wrdreg $0xFFFFFFFF  }
0xc0: {  	_ =	task.clear_ibuf [dreg:s6], $0x2FFFF;
	_ =	strace $0x9FFFFFFF  }
0xc1: {  	(tm) =	ssettm $0x7FFFFFFF  }
tec
execute0_lowered:
.L_overlay_start_1:
0x0: {  	(tag) =	ssettag $0x1  }
0x1: {  	s1 =	srdreg.scid  }
0x2: {  	s0 =	stileid.u32;
	s9 =	sand.u32 $0x1, s1  }
0x3: {  	s30 =	sshll.u32 s0, $0x2;
	s2 =	sshll.u32 s9, $0x1  }
0x4: {  	s11 =	rddreg [dreg:$0x0];
	s10 =	sor.u32 s2, s30  }
0x5: {  	s1 =	rddreg [dreg:$0x1];
	s2 =	simm.s32 $0x0;
	s3 =	sshll.u32 s10, $0x4  }
0x6: {  	[smem:$0x7FF] =	sst s2;
	s3 =	sadd.s32 s3, s11  }
0x7: {  	_ =	strace $0x80000047;
	s4 =	sadd.s32 $0x600, s3;
	s3 =	simm.s32 $0x2  }
0x8: {  	[tilespmem:s2], [sflag:$0x2] =	stream.linear.gather [hbm4b:s4+s2], $0x100, $0x38;
	[tilespmem:$0x5100] =	vst v63  }
0x9: {  	s6 =	simm.s32 $0x50;
	s7 =	simm.s32 $0x100;
	_ =	swait.ge [sflag:s3], $0x100  }
0xa: {  	s8 =	simm.s32 $0x1;
	s5 =	sadd.s32 $0xA00, s11;
	[sflag:s3] =	ssyncset.done $0x0  }
0xb: {  	s13 =	ssub.s32 $0x2, s9;
	s9 =	simm.s32 $0x80;
	[sflag:s3] =	ssyncadd.s32 $0xFFFFFF00  }
0xc: {  	[tilespmem:s7], [sflag:$0x1] =	stream.indirect.gather [hbm4b:s5+s6], $0x80, s2, s6, $0xb8;
	[tilespmem:$0x5100] =	vst v63  }
0xd: {  	s14 =	sshrl.u32 s13, $0x1;
	s12 =	smul.u32 $0x500, s10;
	_ =	swait.ge [sflag:s8], $0x2800  }
0xe: {  	s10 =	simm.s32 $0x2900;
	s31 =	ssub.s32 s13, s14;
	[sflag:s8] =	ssyncset.done $0x0  }
0xf: {  	s11 =	sadd.s32 s12, s11;
	s12 =	smax.u32 s31, $0x1;
	[sflag:s8] =	ssyncadd.s32 $0xFFFFD800  }
0x10: {  	[tilespmem:s10], [sflag:$0x1] =	stream.indirect.gather [hbm4b:s5+s6], $0x80, s9, s6, $0xb8;
	[tilespmem:$0x5100] =	vst v63  }
0x11: {  	p0 =	sne.s32 s12, $0x1;
	_ =	swait.ge [sflag:s8], $0x2800  }
.Ltmp0:
0x12: {  	[sflag:s8] =	ssyncset.done $0x0;
	(pc) =	sbr.rel @!p0 .LBB2_2-.Ltmp0, $4  }
0x13: {  	s11 =	sadd.s32 $0x14A00, s11;
	[sflag:s8] =	ssyncadd.s32 $0xFFFFD800  }
0x14: {  	[hbm4b:s11+s2] =	stream.linear.scatter [tilespmem:s7], [sflag:$0x2], $0x5000, $0x38;
	[tilespmem:$0x5100] =	vst v63  }
0x15: {  	_ =	swait.ge [sflag:s3], $0x5000  }
0x16: {  	s12 =	sadd.s32 $0xFFFFFFFF, s12;
	[sflag:s3] =	ssyncset.done $0x0  }
.LBB2_1:
0x17: {  	p0 =	sne.s32 s12, $0x1;
	s12 =	sadd.s32 $0xFFFFFFFF, s12;
	[sflag:s3] =	ssyncadd.s32 $0xFFFFB000  }
0x18: {  	[tilespmem:s2], [sflag:$0x2] =	stream.linear.gather [hbm4b:s4+s2], $0x100, $0x38;
	[tilespmem:$0x5100] =	vst v63  }
0x19: {  	_ =	swait.ge [sflag:s3], $0x100  }
0x1a: {  	[sflag:s3] =	ssyncset.done $0x0  }
0x1b: {  	[sflag:s3] =	ssyncadd.s32 $0xFFFFFF00  }
0x1c: {  	[tilespmem:s7], [sflag:$0x1] =	stream.indirect.gather [hbm4b:s5+s6], $0x80, s2, s6, $0xb8;
	[tilespmem:$0x5100] =	vst v63  }
0x1d: {  	_ =	swait.ge [sflag:s8], $0x2800  }
0x1e: {  	[sflag:s8] =	ssyncset.done $0x0  }
0x1f: {  	[sflag:s8] =	ssyncadd.s32 $0xFFFFD800  }
0x20: {  	[tilespmem:s10], [sflag:$0x1] =	stream.indirect.gather [hbm4b:s5+s6], $0x80, s9, s6, $0xb8;
	[tilespmem:$0x5100] =	vst v63  }
0x21: {  	_ =	swait.ge [sflag:s8], $0x2800  }
.Ltmp1:
0x22: {  	[sflag:s8] =	ssyncset.done $0x0;
	(pc) =	sbr.rel @p0 .LBB2_1-.Ltmp1, $4  }
0x23: {  	[sflag:s8] =	ssyncadd.s32 $0xFFFFD800  }
0x24: {  	[hbm4b:s11+s2] =	stream.linear.scatter [tilespmem:s7], [sflag:$0x2], $0x5000, $0x38;
	[tilespmem:$0x5100] =	vst v63  }
0x25: {  	_ =	swait.ge [sflag:s3], $0x5000  }
0x26: {  	[sflag:s3] =	ssyncset.done $0x0  }
.LBB2_2:
0x27: {  	[sflag:s3] =	ssyncadd.s32 $0xFFFFB000  }
0x28: {  	_ =	sfence.sel $0x180000  }
0x29: {  	[bflag:$0x0] =	sbarrier.arrive $0xFFFF  }
0x2a: {  	p0 =	sne.s32 s0, $0x0;
	_ =	strace $0x90000047  }
0x2b: {  	s0 =	sadd.s32 @!p0 $0x100000, s1;
	[bflag:$0x2] =	sbarrier.arrive $0xFFFF  }
0x2c: {  	[sflag:s0] =	ssyncadd.tile.s32 @!p0 $0x1;
	_ =	shalt  }
.Lfunc_end2:
_tile_overlayer_lowered:
.L_overlay_start_2:
0x2d: {  	(tag) =	ssettag $0x2  }
0x2e: {  	s0 =	rddreg [dreg:$0x0];
	s2 =	stileid.u32  }
0x2f: {  	s1 =	rddreg [dreg:$0x1];
	p0 =	sne.s32 s2, $0x0  }
0x30: {  	s3 =	rddreg [dreg:$0x2];
	[bflag:$0x3] =	sbarrier.arrive $0xFFFF;
	s2 =	simm.s32 @!p0 $0x1C02  }
0x31: {  	[timem:s3], [sflag:s2] =	dma.local @!p0 [hbm:s0], s1  }
0x32: {  	s0 =	simm.s32 @!p0 $0x2  }
0x33: {  	_ =	swait.ge @!p0 [sflag:s0], s1  }
0x34: {  	s1 =	ssub.s32 @!p0 $0x0, s1;
	[sflag:s0] =	ssyncset.done @!p0 $0x0  }
0x35: {  	[sflag:s0] =	ssyncadd.s32 @!p0 s1  }
0x36: {  	[bflag:$0x3] =	sbarrier.arrive $0xFFFF  }
0x37: {  	_ =	shalt  }

// kernel: kernel.8.cloned.1.call-start
scs
__scs_entry_jumppad:
0x0: {  	(pc) =	sbr.rel $0x88, $3  }
0x1: {  	(tag) =	ssettag $0x0;
	lr =	simm.s32 $0x1  }
0x2: {  	[smem:$0x3F9F] =	sst lr;
	_ =	strace $0xD0000000  }
0x3: {  	_ = 	snop  }
0x4: {  	_ = 	snop  }
0x5: {  	_ = 	snop  }
0x6: {  	_ = 	snop  }
0x7: {  	_ = 	snop  }
__scs_overlays_trampoline_lowered:
0x8: {  	[smem:$0x3FAE] =	sst s0  }
0x9: {  	[smem:$0x3FAF] =	sst s1  }
0xa: {  	[smem:$0x3FB0] =	sst s2  }
0xb: {  	[smem:$0x3FB1] =	sst s3  }
0xc: {  	[smem:$0x3FB2] =	sst s4  }
0xd: {  	[smem:$0x3FB3] =	sst s5  }
0xe: {  	[smem:$0x3FB4] =	sst s6  }
0xf: {  	[smem:$0x3FB5] =	sst s7  }
0x10: {  	[smem:$0x3FB6] =	sst s8  }
0x11: {  	[smem:$0x3FB7] =	sst s9;
	s0 =	simm.s32 @!p0 $0x0  }
0x12: {  	s1 =	sld [smem:$0x3F9D];
	s0 =	simm.s32 @p0 $0x1  }
0x13: {  	[smem:$0x3FB8] =	sst s0;
	s0 =	simm.s32 @!p1 $0x0  }
0x14: {  	s2 =	sld [smem:$0x3F9C];
	s0 =	simm.s32 @p1 $0x1  }
0x15: {  	[smem:$0x3FB9] =	sst s0;
	s0 =	simm.s32 @!p2 $0x0  }
0x16: {  	s3 =	sld [smem:$0x3FDB];
	s0 =	simm.s32 @p2 $0x1  }
0x17: {  	s4 =	simm.s32 $0x1BF5;
	[smem:$0x3FBB] =	sst s0  }
0x18: {  	s0 =	sld [smem:$0x3F9E];
	_ =	swait.ge [sflag:s4], $0x0  }
0x19: {  	s7 =	sld [smem:$0x3F9F]  }
0x1a: {  	s8 =	sadd.s32 $0xFFFFE003, lr  }
0x1b: {  	s9 =	sadd.s32 $0xFFFFFEF7, lr;
	s5 =	simm.s32 $0xFFFFFFFF;
	p2 =	slt.u32 s8, $0xFFFFF086  }
0x1c: {  	p1 =	slt.u32 s9, $0xF7A;
	s5 =	simm.s32 @!p2 $0x0  }
0x1d: {  	s5 =	simm.s32 @p1 $0x1;
	p0 =	seq.s32 s7, s2  }
0x1e: {  	s7 =	smul.u32 @!p0 $0xF7A, s2;
	p2 =	seq.s32 @!p0 s5, $0x0  }
0x1f: {  	s9 =	smul.u32 $0xF7A, s1;
	s8 =	simm.s32 @!p0 $0x1BF5;
	p2 =	por !p2, p0  }
0x20: {  	[sflag:s8] =	ssyncset.s32 @!p0 $0xFFFFF086;
	s6 =	sadd.s32 @!p0 s3, s7;
	s7 =	simm.s32 @!p0 $0x108  }
0x21: {  	s3 =	sadd.s32 s3, s9;
	s6 =	sadd.s32 @!p0 $0x88, s6;
	s7 =	simm.s32 @p2 $0x1082  }
0x22: {  	[simem:s7], [sflag:s8] =	dma.local @!p0 [hbm:s6], $0xF7A  }
0x23: {  	s9 =	sor.u32 $0xD0000000, s2;
	s6 =	simm.s32 $0x108;
	_ =	swait.ge @!p0 [sflag:s8], $0x0  }
0x24: {  	s3 =	sadd.s32 $0x88, s3;
	s6 =	simm.s32 @!p1 $0x1082;
	[sflag:s4] =	ssyncset.s32 $0xFFFFF086  }
0x25: {  	[simem:s6], [sflag:s4] =	dma.local [hbm:s3], $0xF7A  }
0x26: {  	[smem:$0x3F9F] =	sst s1;
	(tag) =	ssettag s2;
	_ =	strace s9  }
0x27: {  	s1 =	sld [smem:$0x3FAF]  }
0x28: {  	s2 =	sld [smem:$0x3FB0]  }
0x29: {  	s4 =	sld [smem:$0x3FB2]  }
0x2a: {  	p0 =	seq.s32 s5, $0x0;
	s5 =	sld [smem:$0x3FB3]  }
0x2b: {  	s6 =	sld [smem:$0x3FB4]  }
0x2c: {  	s7 =	sld [smem:$0x3FB5]  }
0x2d: {  	s3 =	simm.s32 $0x108;
	s8 =	sld [smem:$0x3FB6]  }
0x2e: {  	s3 =	simm.s32 @!p0 $0x1082;
	s9 =	sld [smem:$0x3FB7]  }
0x2f: {  	lr =	sadd.s32 s0, s3;
	s0 =	sld [smem:$0x3FAE]  }
0x30: {  	s3 =	sld [smem:$0x3FB1]  }
0x31: {  	[smem:$0x3FBA] =	sst s10  }
0x32: {  	s10 =	sld [smem:$0x3FB8];
	_ =	sdelay $0x3  }
0x33: {  	p0 =	seq.s32 s10, $0x1;
	s10 =	sld [smem:$0x3FBA];
	_ =	sdelay $0x3  }
0x34: {  	[smem:$0x3FBA] =	sst s10  }
0x35: {  	s10 =	sld [smem:$0x3FB9];
	_ =	sdelay $0x3  }
0x36: {  	p1 =	seq.s32 s10, $0x1;
	s10 =	sld [smem:$0x3FBA];
	_ =	sdelay $0x3  }
0x37: {  	[smem:$0x3FBA] =	sst s10  }
0x38: {  	s10 =	sld [smem:$0x3FBB]  }
0x39: {  	_ = 	snop;
	(pc) =	sbr.ind lr, $3  }
0x3a: {  	_ = 	snop  }
0x3b: {  	_ = 	snop  }
0x3c: {  	p2 =	seq.s32 s10, $0x1;
	s10 =	sld [smem:$0x3FBA]  }
0x3d: {  	_ =	shalt  }
0x3e: {  	_ =	shalt  }
0x3f: {  	_ =	shalt  }
0x40: {  	_ =	shalt  }
0x41: {  	_ =	shalt  }
0x42: {  	_ =	shalt  }
0x43: {  	_ =	shalt  }
0x44: {  	_ =	shalt  }
0x45: {  	_ =	shalt  }
0x46: {  	_ =	shalt  }
0x47: {  	_ =	shalt  }
0x48: {  	_ =	shalt  }
0x49: {  	_ =	shalt  }
0x4a: {  	_ =	shalt  }
0x4b: {  	_ =	shalt  }
0x4c: {  	_ =	shalt  }
0x4d: {  	_ =	shalt  }
0x4e: {  	_ =	shalt  }
0x4f: {  	_ =	shalt  }
0x50: {  	_ =	shalt  }
0x51: {  	_ =	shalt  }
0x52: {  	_ =	shalt  }
0x53: {  	_ =	shalt  }
0x54: {  	_ =	shalt  }
0x55: {  	_ =	shalt  }
0x56: {  	_ =	shalt  }
0x57: {  	_ =	shalt  }
0x58: {  	_ =	shalt  }
0x59: {  	_ =	shalt  }
0x5a: {  	_ =	shalt  }
0x5b: {  	_ =	shalt  }
0x5c: {  	_ =	shalt  }
0x5d: {  	_ =	shalt  }
0x5e: {  	_ =	shalt  }
0x5f: {  	_ =	shalt  }
0x60: {  	_ =	shalt  }
0x61: {  	_ =	shalt  }
0x62: {  	_ =	shalt  }
0x63: {  	_ =	shalt  }
0x64: {  	_ =	shalt  }
0x65: {  	_ =	shalt  }
0x66: {  	_ =	shalt  }
0x67: {  	_ =	shalt  }
0x68: {  	_ =	shalt  }
0x69: {  	_ =	shalt  }
0x6a: {  	_ =	shalt  }
0x6b: {  	_ =	shalt  }
0x6c: {  	_ =	shalt  }
0x6d: {  	_ =	shalt  }
0x6e: {  	_ =	shalt  }
0x6f: {  	_ =	shalt  }
0x70: {  	_ =	shalt  }
0x71: {  	_ =	shalt  }
0x72: {  	_ =	shalt  }
0x73: {  	_ =	shalt  }
0x74: {  	_ =	shalt  }
0x75: {  	_ =	shalt  }
0x76: {  	_ =	shalt  }
0x77: {  	_ =	shalt  }
0x78: {  	_ =	shalt  }
0x79: {  	_ =	shalt  }
0x7a: {  	_ =	shalt  }
0x7b: {  	_ =	shalt  }
0x7c: {  	_ =	shalt  }
0x7d: {  	_ =	shalt  }
0x7e: {  	_ =	shalt  }
0x7f: {  	_ =	shalt  }
0x80: {  	_ =	shalt  }
0x81: {  	_ =	shalt  }
0x82: {  	_ =	shalt  }
0x83: {  	_ =	shalt  }
0x84: {  	_ =	shalt  }
0x85: {  	_ =	shalt  }
0x86: {  	_ =	shalt  }
0x87: {  	_ =	shalt  }
.Lfunc_end0:
.L_simem_size_0:
called_computation.1_lowered:
.L_overlay_start_0:
0x88: {  	s2 =	sld [smem:$0x3FD9]  }
0x89: {  	s3 =	sld [smem:$0x3FFE];
	_ =	sdelay $0x1  }
0x8a: {  	s1 =	srdreg.scid  }
0x8b: {  	s0 =	sand.u32 $0x1, s1  }
0x8c: {  	s16 =	sshll.u32 s0, $0xA;
	s2 =	sadd.s32 s3, s2  }
0x8d: {  	s2 =	sadd.s32 s2, s16  }
0x8e: {  	[smem:$0x3FC6] =	sst s2  }
0x8f: {  	_ = 	snop  }
0x90: {  	(tm) =	ssettm $0x1  }
0x91: {  	s17 =	sld [smem:$0x3FFB];
	_ =	sdelay $0x3  }
0x92: {  	_ =	strace s17  }
0x93: {  	s2 =	sld [smem:$0x3FFC];
	_ =	sdelay $0x3  }
0x94: {  	_ =	strace s2  }
0x95: {  	s2 =	sld [smem:$0x3FFD];
	_ =	sdelay $0x3  }
0x96: {  	_ =	strace s2  }
0x97: {  	_ =	strace $0x8FFFFFFF  }
0x98: {  	s18 =	sld [smem:$0x3FDB];
	_ =	sdelay $0x1  }
0x99: {  	s19 =	simm.s32 $_scs_section_size  }
0x9a: {  	s4 =	simm.s32 $_size__tile_overlayer_lowered;
	s5 =	simm.s32 $_tile_overlayer_lowered  }
0x9b: {  	s22 =	simm.s32 $0x1BFF;
	s21 =	sshll.u32 s5, $0x1;
	s2 =	sadd.s32 s19, s18  }
0x9c: {  	s6 =	simm.s32 $0x0;
	s20 =	sshll.u32 s4, $0x1;
	s4 =	sadd.s32 s21, s2  }
0x9d: {  	[timem:s6], [sflag:s22] =	dma.local [hbm:s4], s20  }
0x9e: {  	_ =	swait.ge [sflag:s22], s20  }
0x9f: {  	s3 =	ssub.s32 $0x0, s20;
	[sflag:s22] =	ssyncset.done $0x0  }
0xa0: {  	[sflag:s22] =	ssyncadd.s32 s3;
	_ =	sdelay $0x1  }
0xa1: {  	s23 =	simm.s32 $0x1B8B  }
0xa2: {  	_ =	swait.ge [sflag:s23], $0x1  }
0xa3: {  	[sflag:s23] =	ssyncset.done $0x0  }
0xa4: {  	s25 =	simm.s32 $0x1B8E;
	s24 =	sld [smem:$0x3FFE];
	[sflag:s23] =	ssyncadd.s32 $0xFFFFFFFF  }
0xa5: {  	s26 =	simm.s32 $execute0_lowered;
	[smem:$0x3FD2] =	sst s25  }
0xa6: {  	s4 =	sshll.u32 s26, $0x1;
	_ =	strace $0x80000049;
	[dreg:$0x1] =	wrdreg $0xFFFFFFFF  }
0xa7: {  	s28 =	simm.s32 $_size_execute0_lowered;
	s2 =	sadd.s32 s2, s4;
	[dreg:$0x0] =	wrdreg $0x0  }
0xa8: {  	s4 =	sshll.u32 s28, $0x1;
	[dreg:$0x2] =	wrdreg s2  }
0xa9: {  	[dreg:$0x3] =	wrdreg s4  }
0xaa: {  	[dreg:$0x4] =	wrdreg $0xC0  }
0xab: {  	_ =	task [dreg:s6], $0x5FFFF  }
0xac: {  	[dreg:$0x1] =	wrdreg $0xFFFFFFFF  }
0xad: {  	[dreg:$0x0] =	wrdreg $0x60  }
0xae: {  	[dreg:$0x2] =	wrdreg s24  }
0xaf: {  	[dreg:$0x3] =	wrdreg $0x9  }
0xb0: {  	_ =	task.clear_ibuf [dreg:s6], $0x4FFFF;
	_ =	strace $0x90000049  }
0xb1: {  	s29 =	simm.s32 $0x9;
	_ =	strace $0x8000004B  }
0xb2: {  	_ =	swait.ge [sflag:s29], $0x1  }
0xb3: {  	[sflag:s29] =	ssyncadd.s32 $0xFFFFFFFF  }
0xb4: {  	_ =	strace $0x9000004B  }
0xb5: {  	_ =	sfence  }
0xb6: {  	s30 =	sld [smem:$0x0];
	_ =	sdelay $0x2  }
0xb7: {  	s31 =	sshll.u32 s1, $0xD;
	s1 =	sshrl.u32 s1, $0x2  }
0xb8: {  	s3 =	sand.u32 $0x4000, s31;
	s1 =	sadd.s32 s1, s30  }
0xb9: {  	s0 =	sor.u32 s3, s0;
	s1 =	sshll.u32 s1, $0x11  }
0xba: {  	s0 =	sor.u32 s1, s0  }
0xbb: {  	s0 =	sadd.s32 $0x8F2B, s0  }
0xbc: {  	[sflag:s0] =	ssyncadd.remote.s32 $0x1  }
0xbd: {  	_ =	sfence.sel $0xFFFF  }
0xbe: {  	[dreg:$0x0] =	wrdreg $0xFFFFFFFF;
	(pc) =	sbr.abs _section_cstart, $3  }
0xbf: {  	[dreg:$0x1] =	wrdreg $0xFFFFFFFF  }
0xc0: {  	_ =	task.clear_ibuf [dreg:s6], $0x2FFFF;
	_ =	strace $0x9FFFFFFF  }
0xc1: {  	(tm) =	ssettm $0x7FFFFFFF  }
tec
execute0_lowered:
.L_overlay_start_1:
0x0: {  	(tag) =	ssettag $0x1  }
0x1: {  	s1 =	srdreg.scid  }
0x2: {  	s0 =	stileid.u32;
	s7 =	sand.u32 $0x1, s1  }
0x3: {  	s3 =	sshll.u32 s0, $0x2;
	s4 =	sshll.u32 s7, $0x1  }
0x4: {  	s8 =	rddreg [dreg:$0x0];
	s2 =	simm.s32 $0x0;
	s3 =	sor.u32 s4, s3  }
0x5: {  	[smem:$0x7FF] =	sst s2;
	s4 =	sshll.u32 s3, $0x4  }
0x6: {  	s1 =	rddreg [dreg:$0x1];
	_ =	strace $0x8000004A;
	s4 =	sadd.s32 s4, s8  }
0x7: {  	s5 =	smul.u32 $0x500, s3;
	s3 =	sadd.s32 $0x600, s4;
	s4 =	simm.s32 $0x2  }
0x8: {  	[tilespmem:s2], [sflag:$0x2] =	stream.linear.gather [hbm4b:s3+s2], $0x100, $0x38;
	[tilespmem:$0x5100] =	vst v63  }
0x9: {  	_ =	swait.ge [sflag:s4], $0x100  }
0xa: {  	s6 =	simm.s32 $0x100;
	s5 =	sadd.s32 s5, s8;
	[sflag:s4] =	ssyncset.done $0x0  }
0xb: {  	s10 =	ssub.s32 $0x2, s7;
	s5 =	sadd.s32 $0xA00, s5;
	[sflag:s4] =	ssyncadd.s32 $0xFFFFFF00  }
0xc: {  	[tilespmem:s6], [sflag:$0x2] =	stream.linear.gather [hbm4b:s5+s2], $0x5000, $0x38;
	[tilespmem:$0x5100] =	vst v63  }
0xd: {  	s9 =	simm.s32 $0x50;
	s11 =	sshrl.u32 s10, $0x1;
	_ =	swait.ge [sflag:s4], $0x5000  }
0xe: {  	s7 =	sadd.s32 $0x14A00, s8;
	s10 =	ssub.s32 s10, s11;
	[sflag:s4] =	ssyncset.done $0x0  }
0xf: {  	s12 =	smax.u32 s10, $0x1;
	s8 =	simm.s32 $0x1;
	[sflag:s4] =	ssyncadd.s32 $0xFFFFB000  }
0x10: {  	[hbm4b:s7+s9] =	stream.indirect.scatter [tilespmem:s6], [sflag:$0x1], $0x80, s2, s9, $0xb8;
	[tilespmem:$0x5100] =	vst v63  }
0x11: {  	p0 =	sne.s32 s12, $0x1;
	_ =	swait.ge [sflag:s8], $0x2800  }
.Ltmp0:
0x12: {  	[sflag:s8] =	ssyncset.done $0x0;
	(pc) =	sbr.rel @!p0 .LBB2_2-.Ltmp0, $4  }
0x13: {  	s11 =	simm.s32 $0x2900;
	s10 =	simm.s32 $0x80;
	[sflag:s8] =	ssyncadd.s32 $0xFFFFD800  }
0x14: {  	[hbm4b:s7+s9] =	stream.indirect.scatter [tilespmem:s11], [sflag:$0x1], $0x80, s10, s9, $0xb8;
	[tilespmem:$0x5100] =	vst v63  }
0x15: {  	_ =	swait.ge [sflag:s8], $0x2800  }
0x16: {  	s12 =	sadd.s32 $0xFFFFFFFF, s12;
	[sflag:s8] =	ssyncset.done $0x0  }
.LBB2_1:
0x17: {  	p0 =	sne.s32 s12, $0x1;
	s12 =	sadd.s32 $0xFFFFFFFF, s12;
	[sflag:s8] =	ssyncadd.s32 $0xFFFFD800  }
0x18: {  	[tilespmem:s2], [sflag:$0x2] =	stream.linear.gather [hbm4b:s3+s2], $0x100, $0x38;
	[tilespmem:$0x5100] =	vst v63  }
0x19: {  	_ =	swait.ge [sflag:s4], $0x100  }
0x1a: {  	[sflag:s4] =	ssyncset.done $0x0  }
0x1b: {  	[sflag:s4] =	ssyncadd.s32 $0xFFFFFF00  }
0x1c: {  	[tilespmem:s6], [sflag:$0x2] =	stream.linear.gather [hbm4b:s5+s2], $0x5000, $0x38;
	[tilespmem:$0x5100] =	vst v63  }
0x1d: {  	_ =	swait.ge [sflag:s4], $0x5000  }
0x1e: {  	[sflag:s4] =	ssyncset.done $0x0  }
0x1f: {  	[sflag:s4] =	ssyncadd.s32 $0xFFFFB000  }
0x20: {  	[hbm4b:s7+s9] =	stream.indirect.scatter [tilespmem:s6], [sflag:$0x1], $0x80, s2, s9, $0xb8;
	[tilespmem:$0x5100] =	vst v63  }
0x21: {  	_ =	swait.ge [sflag:s8], $0x2800  }
.Ltmp1:
0x22: {  	[sflag:s8] =	ssyncset.done $0x0;
	(pc) =	sbr.rel @p0 .LBB2_1-.Ltmp1, $4  }
0x23: {  	[sflag:s8] =	ssyncadd.s32 $0xFFFFD800  }
0x24: {  	[hbm4b:s7+s9] =	stream.indirect.scatter [tilespmem:s11], [sflag:$0x1], $0x80, s10, s9, $0xb8;
	[tilespmem:$0x5100] =	vst v63  }
0x25: {  	_ =	swait.ge [sflag:s8], $0x2800  }
0x26: {  	[sflag:s8] =	ssyncset.done $0x0  }
.LBB2_2:
0x27: {  	[sflag:s8] =	ssyncadd.s32 $0xFFFFD800  }
0x28: {  	_ =	sfence.sel $0x180000  }
0x29: {  	[bflag:$0x0] =	sbarrier.arrive $0xFFFF  }
0x2a: {  	p0 =	sne.s32 s0, $0x0;
	_ =	strace $0x9000004A  }
0x2b: {  	s0 =	sadd.s32 @!p0 $0x100000, s1;
	[bflag:$0x2] =	sbarrier.arrive $0xFFFF  }
0x2c: {  	[sflag:s0] =	ssyncadd.tile.s32 @!p0 $0x1;
	_ =	shalt  }
.Lfunc_end2:
_tile_overlayer_lowered:
.L_overlay_start_2:
0x2d: {  	(tag) =	ssettag $0x2  }
0x2e: {  	s0 =	rddreg [dreg:$0x0];
	s2 =	stileid.u32  }
0x2f: {  	s1 =	rddreg [dreg:$0x1];
	p0 =	sne.s32 s2, $0x0  }
0x30: {  	s3 =	rddreg [dreg:$0x2];
	[bflag:$0x3] =	sbarrier.arrive $0xFFFF;
	s2 =	simm.s32 @!p0 $0x1C02  }
0x31: {  	[timem:s3], [sflag:s2] =	dma.local @!p0 [hbm:s0], s1  }
0x32: {  	s0 =	simm.s32 @!p0 $0x2  }
0x33: {  	_ =	swait.ge @!p0 [sflag:s0], s1  }
0x34: {  	s1 =	ssub.s32 @!p0 $0x0, s1;
	[sflag:s0] =	ssyncset.done @!p0 $0x0  }
0x35: {  	[sflag:s0] =	ssyncadd.s32 @!p0 s1  }
0x36: {  	[bflag:$0x3] =	sbarrier.arrive $0xFFFF  }
0x37: {  	_ =	shalt  }

</sc_bundles>
